<compile_context>
chip_gen: v7x
topology: tpu7x:2x2x1
jax: 0.10.2.dev20260603
libtpu: 0.0.44.dev20260713+nightly
codegen_flags: <defaults>
</compile_context>

<pallas_src>
import functools

import jax
import jax.numpy as jnp
import ml_dtypes
import numpy as np
from jax import lax
from jax.experimental import pallas as pl
from jax.experimental.pallas import tpu as pltpu
from jax.experimental.pallas import tpu_sc as plsc

NUM_RBF = 16
MAX_REL = 32
F_DIM = 32
ROWS_PER_TILE = 64

_X_IDX = [1, 0, 2, 3, 4, 1, 1, 1, 1, 0, 0, 0, 4, 4, 3, 0, 2, 3, 4, 2, 3, 4, 2, 3, 2]
_Y_IDX = [1, 0, 2, 3, 4, 0, 2, 3, 4, 2, 3, 4, 2, 3, 2, 1, 1, 1, 1, 0, 0, 0, 4, 4, 3]


def _build_selectors():
    px1 = np.zeros((F_DIM, 128), np.float32)
    py1 = np.zeros((F_DIM, 128), np.float32)
    for c in range(25):
        for u in range(3):
            px1[3 * _X_IDX[c] + u, 3 * c + u] = 1.0
            py1[3 * _Y_IDX[c] + u, 3 * c + u] = 1.0
    for b in range(3):
        for a in range(3):
            px1[24 + b, 75 + 3 * b + a] = 1.0
            py1[24 + b, 75 + 3 * b + a] = 1.0

    px2 = np.zeros((F_DIM, 128), np.float32)
    for b in range(3):
        for a in range(3):
            for c in range(3):
                px2[15 + 3 * b + a, 84 + 9 * b + 3 * a + c] = 1.0
                py1[15 + 3 * b + c, 84 + 9 * b + 3 * a + c] = 1.0
            px2[15 + 3 * b + a, 75 + 3 * b + a] = 1.0

    py1[28, 127] = 1.0
    ej = np.zeros((F_DIM, 128), np.float32)
    ej[27, :] = 1.0

    rsp = np.zeros((256, 128), np.float32)
    for c in range(25):
        for u in range(3):
            rsp[3 * c + u, c] = 1.0
    for b in range(3):
        for a in range(3):
            rsp[128 + 75 + 3 * b + a, 25 + a] = 1.0
            for c in range(3):
                rsp[128 + 84 + 9 * b + 3 * a + c, 66 + 3 * a + c] = 2.5
    rsp[127, 126] = rsp[127, 127] = 2.5

    sel = np.zeros((128, 448), np.float32)
    for c in range(28):
        for m in range(NUM_RBF):
            sel[c, NUM_RBF * c + m] = 1.0
    sel = np.concatenate([sel, np.zeros((128, 64), np.float32)], axis=1)
    pyall = np.concatenate([py1, ej], axis=1)
    pxall = np.concatenate([px1, px2], axis=1)
    return pxall, pyall, rsp, sel


_PXALL, _PYALL, _RSP, _SEL = _build_selectors()
_MU04 = (0.4 * (2.0 + (np.arange(512) % NUM_RBF) * (40.0 / (NUM_RBF - 1)))
         ).astype(np.float32)
_MU_HI = _MU04.astype(ml_dtypes.bfloat16)
_MU_LO = (_MU04 - _MU_HI.astype(np.float32)).astype(ml_dtypes.bfloat16)
_SEL_A = _SEL.copy()
_SEL_A[126, :] = -_MU_HI.astype(np.float32)
_SEL_A[127, :] = -_MU_LO.astype(np.float32)
_SELAB = np.concatenate([_SEL_A, _SEL], axis=0)
_RSP2 = np.concatenate([_RSP, _RSP], axis=0)
_PYALL2 = np.concatenate([_PYALL, _PYALL], axis=0)


def _table_kernel(co_ref, ro_ref, tr_ref, out_ref, *, n_res):
    co = co_ref[...]
    ro = ro_ref[...]
    tr = tr_ref[...]
    nat = co[:, 0:3]
    ca = co[:, 3:6]
    cc = co[:, 6:9]
    oo = co[:, 9:12]
    bv = ca - nat
    cv = cc - ca
    a0 = bv[:, 1:2] * cv[:, 2:3] - bv[:, 2:3] * cv[:, 1:2]
    a1 = bv[:, 2:3] * cv[:, 0:1] - bv[:, 0:1] * cv[:, 2:3]
    a2 = bv[:, 0:1] * cv[:, 1:2] - bv[:, 1:2] * cv[:, 0:1]
    av = jnp.concatenate([a0, a1, a2], axis=1)
    cb = -0.58273431 * av + 0.56802827 * bv - 0.54067466 * cv + ca
    rows = co.shape[0]
    jcol = (lax.broadcasted_iota(jnp.int32, (rows, 1), 0) % n_res).astype(jnp.float32)
    one = jnp.ones((rows, 1), jnp.float32)
    pad = jnp.zeros((rows, F_DIM - 29), jnp.float32)
    out_ref[...] = jnp.concatenate([nat, ca, cc, oo, cb, ro, tr, jcol, one, pad], axis=1)


def _build_table(co12, ro9, tr3, n_res):
    rows = co12.shape[0]
    return pl.pallas_call(
        functools.partial(_table_kernel, n_res=n_res),
        out_shape=jax.ShapeDtypeStruct((rows, F_DIM), jnp.float32),
    )(co12, ro9, tr3)


def _gather_sc(table, idx):
    n_edges = idx.shape[0]
    info = plsc.get_sparse_core_info()
    nc, ns = info.num_cores, info.num_subcores
    nw = nc * ns
    per_w = n_edges // nw
    chunk = 128
    n_chunks = per_w // chunk
    idx3 = idx.reshape(nw, n_chunks, chunk)
    mesh = plsc.VectorSubcoreMesh(core_axis_name="c", subcore_axis_name="s")

    @functools.partial(
        pl.kernel,
        mesh=mesh,
        out_type=jax.ShapeDtypeStruct((n_edges, F_DIM), jnp.float32),
        scratch_types=[
            pltpu.VMEM((n_chunks, chunk), jnp.int32),
            pltpu.VMEM((chunk, F_DIM), jnp.float32),
            pltpu.VMEM((chunk, F_DIM), jnp.float32),
            pltpu.SemaphoreType.DMA,
            pltpu.SemaphoreType.DMA,
        ],
        compiler_params=pltpu.CompilerParams(use_tc_tiling_on_sc=False),
    )
    def gather(table_hbm, idx_hbm, out_hbm, idx_v, row0_v, row1_v, sem0, sem1):
        wid = lax.axis_index("s") * nc + lax.axis_index("c")
        base = wid * per_w
        pltpu.sync_copy(idx_hbm.at[wid], idx_v)
        bufs = (row0_v, row1_v)
        sems = (sem0, sem1)
        pend = [None, None]
        for c in range(n_chunks):
            pend[c % 2] = pltpu.async_copy(
                table_hbm.at[idx_v.at[c]], bufs[c % 2], sems[c % 2])
            if c > 0:
                pend[(c - 1) % 2].wait()
                pltpu.sync_copy(bufs[(c - 1) % 2],
                                out_hbm.at[pl.ds(base + (c - 1) * chunk, chunk)])
        pend[(n_chunks - 1) % 2].wait()
        pltpu.sync_copy(bufs[(n_chunks - 1) % 2],
                        out_hbm.at[pl.ds(base + (n_chunks - 1) * chunk, chunk)])

    return gather(table, idx3)


def kernel(coordinates, rot, trans, topologies, W_pos, b_pos, W_edge, b_edge, ln_scale, ln_bias):
    B, N, K = topologies.shape
    E_edges = B * N * K
    rows = B * N

    co12 = coordinates.reshape(rows, 12).astype(jnp.float32)
    ro9 = rot.reshape(rows, 9).astype(jnp.float32)
    tr3 = trans.reshape(rows, 3).astype(jnp.float32)

    table = _build_table(co12, ro9, tr3, N)

    topo = topologies.astype(jnp.int32)
    idx = (topo + (jnp.arange(B, dtype=jnp.int32) * N)[:, None, None]).reshape(E_edges)
    g = _gather_sc(table, idx)

    W_edge = W_edge.astype(jnp.float32)
    w_main = jnp.zeros((512, 128), jnp.float32)
    w_main = w_main.at[0:400].set(W_edge[16:416])
    w_main = w_main.at[400:448].set(W_edge[425:473])
    w_aux = jnp.zeros((128, 128), jnp.float32)
    w_aux = w_aux.at[0:66].set(W_pos.astype(jnp.float32) @ W_edge[0:16])
    w_aux = w_aux.at[66:75].set(W_edge[416:425])
    btot = (b_edge.astype(jnp.float32) + b_pos.astype(jnp.float32) @ W_edge[0:16]).reshape(1, 128)
    ctr_m = jnp.eye(128, dtype=jnp.float32) - 1.0 / 128.0
    w_main = w_main @ ctr_m
    w_aux = w_aux @ ctr_m
    btot = btot @ ctr_m

    tile_e = ROWS_PER_TILE * K
    n_tiles = E_edges // tile_e

    consts = dict(n_res=N, k_nb=K)
    edge_call = pl.pallas_call(
        functools.partial(_edge_body, **consts),
        grid=(n_tiles,),
        in_specs=[
            pl.BlockSpec((tile_e, F_DIM), lambda t: (t, 0)),
            pl.BlockSpec((ROWS_PER_TILE, F_DIM), lambda t: (t, 0)),
            pl.BlockSpec((F_DIM, 256), lambda t: (0, 0)),
            pl.BlockSpec((2 * F_DIM, 256), lambda t: (0, 0)),
            pl.BlockSpec((512, 128), lambda t: (0, 0)),
            pl.BlockSpec((256, 512), lambda t: (0, 0)),
            pl.BlockSpec((512, 128), lambda t: (0, 0)),
            pl.BlockSpec((128, 128), lambda t: (0, 0)),
            pl.BlockSpec((1, 128), lambda t: (0, 0)),
            pl.BlockSpec((1, 128), lambda t: (0, 0)),
            pl.BlockSpec((1, 128), lambda t: (0, 0)),
        ],
        out_specs=pl.BlockSpec((tile_e, 128), lambda t: (t, 0)),
        out_shape=jax.ShapeDtypeStruct((E_edges, 128), jnp.float32),
        compiler_params=pltpu.CompilerParams(
            dimension_semantics=("parallel",),
        ),
    )

    bf = jnp.bfloat16
    e_flat = edge_call(
        g, table,
        jnp.asarray(_PXALL, bf), jnp.asarray(_PYALL2, bf),
        jnp.asarray(_RSP2, bf), jnp.asarray(_SELAB, bf),
        w_main.astype(bf), w_aux.astype(bf), btot,
        ln_scale.reshape(1, 128).astype(jnp.float32),
        ln_bias.reshape(1, 128).astype(jnp.float32),
    )
    E_out = e_flat.reshape(B, N, K, 128)
    nodes = jnp.zeros((B, N, 128), dtype=E_out.dtype)
    return E_out, nodes


def _split2(x):
    xh = x.astype(jnp.bfloat16)
    xl = (x - xh.astype(jnp.float32)).astype(jnp.bfloat16)
    return xh, xl


def _bdot(a_bf16, b_bf16):
    return jnp.dot(a_bf16, b_bf16, preferred_element_type=jnp.float32)


def _sel_dot(xh, xl, s_bf16):
    return _bdot(xh, s_bf16) + _bdot(xl, s_bf16)


def _edge_body(g_ref, f_ref, pxall_ref, pyall_ref,
               rsp_ref, sela_ref, wmain_ref, waux_ref, btot_ref,
               lnsc_ref, lnbs_ref, out_ref, *, n_res, k_nb):
    t = pl.program_id(0)
    gg = g_ref[...]
    f8 = f_ref[...]
    rows = gg.shape[0]

    rep_r = lax.broadcasted_iota(jnp.int32, (rows, 128), 0) // k_nb
    rep_c = lax.broadcasted_iota(jnp.int32, (rows, 128), 1)
    rep2 = ((rep_c % ROWS_PER_TILE == rep_r)
            & (rep_c < 2 * ROWS_PER_TILE)).astype(jnp.bfloat16)

    f8h, f8l = _split2(f8)
    ggh, ggl = _split2(gg)
    oall = _sel_dot(f8h, f8l, pxall_ref[...])
    oh, ol = _split2(oall)
    ownall = _bdot(rep2, jnp.concatenate([oh, ol], axis=0))
    own1 = ownall[:, 0:128]
    own2 = ownall[:, 128:256]
    nball = _bdot(jnp.concatenate([ggh, ggl], axis=1), pyall_ref[...])
    nbr1 = nball[:, 0:128]
    jb = nball[:, 128:256]

    dif = nbr1 - own1
    sq = dif * dif
    lane = lax.broadcasted_iota(jnp.int32, (rows, 128), 1)
    pr = own2 * dif

    sqh, sql = _split2(sq)
    prh, prl = _split2(pr)
    cat4 = jnp.concatenate([sqh, prh, sql, prl], axis=1)
    ch = _bdot(cat4, rsp_ref[...])
    dm = jnp.where(lane < 25, jnp.sqrt(ch + 1e-12), ch)
    dm = dm * 0.4

    dmh, dml = _split2(dm)
    ds = _bdot(jnp.concatenate([dmh, dml], axis=1), sela_ref[...])
    phi = jnp.exp(-jnp.square(ds))

    i0 = lax.rem(t * ROWS_PER_TILE, n_res)
    ib = (i0 + lax.broadcasted_iota(jnp.int32, (rows, 128), 0) // k_nb
          ).astype(jnp.float32)
    dpos = jnp.clip(jb - ib + float(MAX_REL), 0.0, 2.0 * MAX_REL)
    oneh = (jnp.abs(lane.astype(jnp.float32) - dpos) < 0.5).astype(jnp.float32)
    rotmask = (lane >= 66) & (lane < 75)
    aux = oneh + jnp.where(rotmask, dm, 0.0)

    ctr = (_bdot(phi.astype(jnp.bfloat16), wmain_ref[...])
           + _bdot(aux.astype(jnp.bfloat16), waux_ref[...]) + btot_ref[...])
    var = jnp.mean(ctr * ctr, axis=1, keepdims=True)
    out_ref[...] = (ctr * lax.rsqrt(var + 1e-6) * lnsc_ref[...]
                    + lnbs_ref[...])

# --- scband reference (transcript-rebuilt; emitter-appended) ---
"""Pipeline reference for scband-protein-features-25941602468399 (READ-ONLY COPY).

The authoritative reference and input builder live on the scoring server;
editing this copy changes nothing except your own understanding.
"""

import jax, jax.numpy as jnp
import numpy as np

B, N, K = 4, 512, 48
NUM_RBF = 16
MAX_REL = 32
NUM_POS_EMB = 16
EDGE_DIM = 128
NODE_DIM = 128


def compute_distances(a, b):
    n_atoms, _ = a.shape
    broad_a = jnp.broadcast_to(a, (n_atoms, n_atoms, 3))
    broad_b = jnp.broadcast_to(b, (n_atoms, n_atoms, 3))
    broad_b_T = jnp.transpose(broad_b, (1, 0, 2))
    dists = jnp.sqrt(jnp.sum((broad_a - broad_b_T) ** 2, axis=2) + 1e-12).T
    return dists


def gather_edges(edges, topology):
    # edges: [N, N, C], topology: [N, K] -> [N, K, C]
    return jnp.take_along_axis(edges, topology[:, :, None], axis=1)


def _rbf(D):
    D_min, D_max, D_count = 2.0, 42.0, NUM_RBF
    D_mu = jnp.linspace(D_min, D_max, D_count).reshape((1, 1, -1))
    D_sigma = (D_max - D_min) / D_count
    D_expand = jnp.expand_dims(D, -1)
    return jnp.exp(-((D_expand - D_mu) / D_sigma) ** 2)


def _get_rbf(A, Bc, topology):
    D_A_B = compute_distances(A, Bc)
    D_neigh = gather_edges(D_A_B[:, :, None], topology)[:, :, 0]
    return _rbf(D_neigh)


def single_example_forward(coordinates, rot, trans, topology, W_pos, b_pos, W_edge, b_edge, ln_scale, ln_bias):
    n_res = coordinates.shape[0]
    k_nb = topology.shape[1]
    Nat = coordinates[:, 0, :]
    Ca = coordinates[:, 1, :]
    C = coordinates[:, 2, :]
    O = coordinates[:, 3, :]
    b = Ca - Nat
    c = C - Ca
    a = jnp.cross(b, c)
    Cb = -0.58273431 * a + 0.56802827 * b - 0.54067466 * c + Ca
    pairs = [(Ca, Ca), (Nat, Nat), (C, C), (O, O), (Cb, Cb), (Ca, Nat), (Ca, C), (Ca, O), (Ca, Cb), (Nat, C), (Nat, O), (Nat, Cb), (Cb, C), (Cb, O), (O, C), (Nat, Ca), (C, Ca), (O, Ca), (Cb, Ca), (C, Nat), (O, Nat), (Cb, Nat), (C, Cb), (O, Cb), (C, O)]
    RBF_all = jnp.concatenate([_get_rbf(x, y, topology) for x, y in pairs], axis=-1)
    # Positional encodings (mask = 1.0 for single-chain case, as in the original call)
    offset = topology - jnp.arange(n_res)[:, None]
    mask = 1.0
    d = jnp.clip(offset + MAX_REL, 0, 2 * MAX_REL) * mask + (1.0 - mask) * (2 * MAX_REL + 1)
    d_onehot = jax.nn.one_hot(d.astype(jnp.int32), 2 * MAX_REL + 1 + 1)
    pos_emb = d_onehot @ W_pos + b_pos
    # Pairwise frames: T_i^{-1} o T_j for each edge (i, j=topology[i,k])
    R_j = rot[topology]          # [N, K, 3, 3]
    t_j = trans[topology]        # [N, K, 3]
    R_i_T = jnp.swapaxes(rot, -1, -2)  # [N, 3, 3]
    R_rel = jnp.einsum('nab,nkbc->nkac', R_i_T, R_j)
    t_rel = jnp.einsum('nab,nkb->nka', R_i_T, t_j - trans[:, None, :])
    rot_features = R_rel.reshape(n_res, k_nb, 9)
    trans_rbfs = jax.vmap(_rbf)(t_rel)
    trans_features = trans_rbfs.reshape(n_res, k_nb, -1)
    interresidue = jnp.concatenate([rot_features, trans_features], axis=-1)
    E = jnp.concatenate([pos_emb, RBF_all, interresidue], axis=-1)
    E = E @ W_edge + b_edge
    mean = jnp.mean(E, axis=-1, keepdims=True)
    var = jnp.var(E, axis=-1, keepdims=True)
    E = (E - mean) / jnp.sqrt(var + 1e-6) * ln_scale + ln_bias
    nodes = jnp.zeros((n_res, NODE_DIM), dtype=E.dtype)
    return E, nodes


def setup_inputs(seed: int = 0):
    key = jax.random.key(seed)
    ks = jax.random.split(key, 8)
    coordinates = jax.random.normal(ks[0], (B, N, 4, 3), dtype=jnp.float32) * 3.0
    raw = jax.random.normal(ks[1], (B, N, 3, 3), dtype=jnp.float32)
    rot, _ = jnp.linalg.qr(raw)  # valid orthonormal frames
    trans = jax.random.normal(ks[2], (B, N, 3), dtype=jnp.float32) * 10.0
    topologies = jax.random.randint(ks[3], (B, N, K), 0, N)
    d_in = 2 * MAX_REL + 2
    W_pos = jax.random.normal(ks[4], (d_in, NUM_POS_EMB), dtype=jnp.float32) / np.sqrt(d_in)
    b_pos = jnp.zeros((NUM_POS_EMB,), dtype=jnp.float32)
    e_in = NUM_POS_EMB + 25 * NUM_RBF + 9 + 3 * NUM_RBF  # 473
    W_edge = jax.random.normal(ks[5], (e_in, EDGE_DIM), dtype=jnp.float32) / np.sqrt(e_in)
    b_edge = jnp.zeros((EDGE_DIM,), dtype=jnp.float32)
    ln_scale = jnp.ones((EDGE_DIM,), dtype=jnp.float32)
    ln_bias = jnp.zeros((EDGE_DIM,), dtype=jnp.float32)
    return {"coordinates": coordinates, "rot": rot, "trans": trans, "topologies": topologies, "W_pos": W_pos, "b_pos": b_pos, "W_edge": W_edge, "b_edge": b_edge, "ln_scale": ln_scale, "ln_bias": ln_bias}


def reference(coordinates, rot, trans, topologies, W_pos, b_pos, W_edge, b_edge, ln_scale, ln_bias):
    f = jax.vmap(lambda co, r, t, top: single_example_forward(co, r, t, top, W_pos, b_pos, W_edge, b_edge, ln_scale, ln_bias))
    return f(coordinates, rot, trans, topologies)

if __name__ == "__main__":
    import jax
    _d = setup_inputs()
    print(jax.jit(kernel)(*tuple(_d.values())))

</pallas_src>

<mosaic_0001>
#map = affine_map<(d0, d1) -> (0, 0)>
#map1 = affine_map<(d0, d1) -> (0, 0, 0)>
module attributes {stable_mosaic.version = 14 : i64} {
  func.func @gather(%arg0: i32, %arg1: i32, %arg2: memref<2048x32xf32, #tpu.memory_space<hbm>>, %arg3: memref<32x24x128xi32, #tpu.memory_space<hbm>>, %arg4: memref<98304x32xf32, #tpu.memory_space<hbm>>, %arg5: memref<24x128xi32, #tpu.memory_space<vmem>>, %arg6: memref<128x32xf32, #tpu.memory_space<vmem>>, %arg7: memref<128x32xf32, #tpu.memory_space<vmem>>, %arg8: memref<!tpu.dma_semaphore, #tpu.memory_space<semaphore_mem>>, %arg9: memref<!tpu.dma_semaphore, #tpu.memory_space<semaphore_mem>>) attributes {dimension_semantics = [#tpu.dimension_semantics<core_parallel>, #tpu.dimension_semantics<subcore_parallel>], iteration_bounds = array<i64: 2, 16>, scalar_prefetch = 0 : i64, scratch_operands = 5 : i64, tpu.core_type = #tpu.core_type<sc_vector_subcore>, window_params = [{transform_indices = #map}, {transform_indices = #map1}, {transform_indices = #map}]} {
    %mul3A = arith.constant 2 : i32
    %mul3A_0 = arith.muli %arg1, %mul3A : i32
    %add3A = arith.addi %mul3A_0, %arg0 : i32
    %mul3A_1 = arith.constant 3072 : i32
    %mul3A_2 = arith.muli %add3A, %mul3A_1 : i32
    "tpu.region"() ({
      %run_scoped3A = tpu.sem_alloc : memref<!tpu.dma_semaphore, #tpu.memory_space<semaphore_mem>>
      %dma_start3A_385 = arith.constant 0 : i32
      %dma_start3A_386 = arith.constant 0 : i32
      %dma_start3A_387 = tpu.memref_slice %arg3[%add3A, %dma_start3A_385, %dma_start3A_386] : memref<32x24x128xi32, #tpu.memory_space<hbm>> -> memref<1x24x128xi32, #tpu.memory_space<hbm>>
      %dma_start3A_388 = tpu.memref_squeeze %dma_start3A_387 : memref<1x24x128xi32, #tpu.memory_space<hbm>> -> memref<24x128xi32, #tpu.memory_space<hbm>>
      %dma_start3A_389 = arith.constant 0 : i32
      %dma_start3A_390 = arith.constant 0 : i32
      %dma_start3A_391 = tpu.memref_slice %arg3[%add3A, %dma_start3A_389, %dma_start3A_390] : memref<32x24x128xi32, #tpu.memory_space<hbm>> -> memref<1x24x128xi32, #tpu.memory_space<hbm>>
      %dma_start3A_392 = tpu.memref_squeeze %dma_start3A_391 : memref<1x24x128xi32, #tpu.memory_space<hbm>> -> memref<24x128xi32, #tpu.memory_space<hbm>>
      tpu.enqueue_dma source(%dma_start3A_392 : memref<24x128xi32, #tpu.memory_space<hbm>>) target(%arg5 : memref<24x128xi32, #tpu.memory_space<vmem>>) target_semaphore(%run_scoped3A : memref<!tpu.dma_semaphore, #tpu.memory_space<semaphore_mem>>)
      %dma_wait3A_393 = arith.constant 0 : i32
      %dma_wait3A_394 = arith.constant 0 : i32
      %dma_wait3A_395 = tpu.memref_slice %arg3[%add3A, %dma_wait3A_393, %dma_wait3A_394] : memref<32x24x128xi32, #tpu.memory_space<hbm>> -> memref<1x24x128xi32, #tpu.memory_space<hbm>>
      %dma_wait3A_396 = tpu.memref_squeeze %dma_wait3A_395 : memref<1x24x128xi32, #tpu.memory_space<hbm>> -> memref<24x128xi32, #tpu.memory_space<hbm>>
      %dma_wait3A_397 = arith.constant 0 : i32
      %dma_wait3A_398 = arith.constant 0 : i32
      %dma_wait3A_399 = tpu.memref_slice %arg3[%add3A, %dma_wait3A_397, %dma_wait3A_398] : memref<32x24x128xi32, #tpu.memory_space<hbm>> -> memref<1x24x128xi32, #tpu.memory_space<hbm>>
      %dma_wait3A_400 = tpu.memref_squeeze %dma_wait3A_399 : memref<1x24x128xi32, #tpu.memory_space<hbm>> -> memref<24x128xi32, #tpu.memory_space<hbm>>
      tpu.wait_dma2 semaphore(%run_scoped3A : memref<!tpu.dma_semaphore, #tpu.memory_space<semaphore_mem>>) src(%dma_wait3A_400 : memref<24x128xi32, #tpu.memory_space<hbm>>) dst(%arg5 : memref<24x128xi32, #tpu.memory_space<vmem>>)
      tpu.yield
    }) : () -> ()
    %dma_start3A = arith.constant 0 : i32
    %dma_start3A_3 = arith.constant 0 : i32
    %dma_start3A_4 = tpu.memref_slice %arg5[%dma_start3A, %dma_start3A_3] : memref<24x128xi32, #tpu.memory_space<vmem>> -> memref<1x128xi32, #tpu.memory_space<vmem>>
    %dma_start3A_5 = tpu.memref_squeeze %dma_start3A_4 : memref<1x128xi32, #tpu.memory_space<vmem>> -> memref<128xi32, #tpu.memory_space<vmem>>
    %dma_start3A_6 = arith.constant 0 : i32
    %dma_start3A_7 = arith.constant 0 : i32
    %dma_start3A_8 = tpu.memref_slice %arg2[%dma_start3A_6, %dma_start3A_7] : memref<2048x32xf32, #tpu.memory_space<hbm>> -> memref<2048x32xf32, #tpu.memory_space<hbm>>
    tpu.enqueue_indirect_dma source(%dma_start3A_8 : memref<2048x32xf32, #tpu.memory_space<hbm>>) target(%arg6 : memref<128x32xf32, #tpu.memory_space<vmem>>) offsets(%dma_start3A_5 : memref<128xi32, #tpu.memory_space<vmem>>) semaphore(%arg8 : memref<!tpu.dma_semaphore, #tpu.memory_space<semaphore_mem>>)
    %dma_start3A_9 = arith.constant 1 : i32
    %dma_start3A_10 = arith.constant 0 : i32
    %dma_start3A_11 = tpu.memref_slice %arg5[%dma_start3A_9, %dma_start3A_10] : memref<24x128xi32, #tpu.memory_space<vmem>> -> memref<1x128xi32, #tpu.memory_space<vmem>>
    %dma_start3A_12 = tpu.memref_squeeze %dma_start3A_11 : memref<1x128xi32, #tpu.memory_space<vmem>> -> memref<128xi32, #tpu.memory_space<vmem>>
    %dma_start3A_13 = arith.constant 0 : i32
    %dma_start3A_14 = arith.constant 0 : i32
    %dma_start3A_15 = tpu.memref_slice %arg2[%dma_start3A_13, %dma_start3A_14] : memref<2048x32xf32, #tpu.memory_space<hbm>> -> memref<2048x32xf32, #tpu.memory_space<hbm>>
    tpu.enqueue_indirect_dma source(%dma_start3A_15 : memref<2048x32xf32, #tpu.memory_space<hbm>>) target(%arg7 : memref<128x32xf32, #tpu.memory_space<vmem>>) offsets(%dma_start3A_12 : memref<128xi32, #tpu.memory_space<vmem>>) semaphore(%arg9 : memref<!tpu.dma_semaphore, #tpu.memory_space<semaphore_mem>>)
    %dma_wait3A = arith.constant 0 : i32
    %dma_wait3A_16 = arith.constant 0 : i32
    %dma_wait3A_17 = tpu.memref_slice %arg5[%dma_wait3A, %dma_wait3A_16] : memref<24x128xi32, #tpu.memory_space<vmem>> -> memref<1x128xi32, #tpu.memory_space<vmem>>
    %dma_wait3A_18 = tpu.memref_squeeze %dma_wait3A_17 : memref<1x128xi32, #tpu.memory_space<vmem>> -> memref<128xi32, #tpu.memory_space<vmem>>
    %dma_wait3A_19 = arith.constant 0 : i32
    %dma_wait3A_20 = arith.constant 0 : i32
    %dma_wait3A_21 = tpu.memref_slice %arg2[%dma_wait3A_19, %dma_wait3A_20] : memref<2048x32xf32, #tpu.memory_space<hbm>> -> memref<2048x32xf32, #tpu.memory_space<hbm>>
    tpu.wait_indirect_dma semaphore(%arg8 : memref<!tpu.dma_semaphore, #tpu.memory_space<semaphore_mem>>) src(%dma_wait3A_21 : memref<2048x32xf32, #tpu.memory_space<hbm>>) dst(%arg6 : memref<128x32xf32, #tpu.memory_space<vmem>>)
    %add3A_22 = arith.constant 0 : i32
    %add3A_23 = arith.addi %mul3A_2, %add3A_22 : i32
    "tpu.region"() ({
      %run_scoped3A = tpu.sem_alloc : memref<!tpu.dma_semaphore, #tpu.memory_space<semaphore_mem>>
      %dma_start3A_385 = arith.constant 0 : i32
      %dma_start3A_386 = tpu.memref_slice %arg4[%add3A_23, %dma_start3A_385] : memref<98304x32xf32, #tpu.memory_space<hbm>> -> memref<128x32xf32, #tpu.memory_space<hbm>>
      %dma_start3A_387 = arith.constant 0 : i32
      %dma_start3A_388 = tpu.memref_slice %arg4[%add3A_23, %dma_start3A_387] : memref<98304x32xf32, #tpu.memory_space<hbm>> -> memref<128x32xf32, #tpu.memory_space<hbm>>
      tpu.enqueue_dma source(%arg6 : memref<128x32xf32, #tpu.memory_space<vmem>>) target(%dma_start3A_388 : memref<128x32xf32, #tpu.memory_space<hbm>>) target_semaphore(%run_scoped3A : memref<!tpu.dma_semaphore, #tpu.memory_space<semaphore_mem>>)
      %dma_wait3A_389 = arith.constant 0 : i32
      %dma_wait3A_390 = tpu.memref_slice %arg4[%add3A_23, %dma_wait3A_389] : memref<98304x32xf32, #tpu.memory_space<hbm>> -> memref<128x32xf32, #tpu.memory_space<hbm>>
      %dma_wait3A_391 = arith.constant 0 : i32
      %dma_wait3A_392 = tpu.memref_slice %arg4[%add3A_23, %dma_wait3A_391] : memref<98304x32xf32, #tpu.memory_space<hbm>> -> memref<128x32xf32, #tpu.memory_space<hbm>>
      tpu.wait_dma2 semaphore(%run_scoped3A : memref<!tpu.dma_semaphore, #tpu.memory_space<semaphore_mem>>) src(%arg6 : memref<128x32xf32, #tpu.memory_space<vmem>>) dst(%dma_wait3A_392 : memref<128x32xf32, #tpu.memory_space<hbm>>)
      tpu.yield
    }) : () -> ()
    %dma_start3A_24 = arith.constant 2 : i32
    %dma_start3A_25 = arith.constant 0 : i32
    %dma_start3A_26 = tpu.memref_slice %arg5[%dma_start3A_24, %dma_start3A_25] : memref<24x128xi32, #tpu.memory_space<vmem>> -> memref<1x128xi32, #tpu.memory_space<vmem>>
    %dma_start3A_27 = tpu.memref_squeeze %dma_start3A_26 : memref<1x128xi32, #tpu.memory_space<vmem>> -> memref<128xi32, #tpu.memory_space<vmem>>
    %dma_start3A_28 = arith.constant 0 : i32
    %dma_start3A_29 = arith.constant 0 : i32
    %dma_start3A_30 = tpu.memref_slice %arg2[%dma_start3A_28, %dma_start3A_29] : memref<2048x32xf32, #tpu.memory_space<hbm>> -> memref<2048x32xf32, #tpu.memory_space<hbm>>
    tpu.enqueue_indirect_dma source(%dma_start3A_30 : memref<2048x32xf32, #tpu.memory_space<hbm>>) target(%arg6 : memref<128x32xf32, #tpu.memory_space<vmem>>) offsets(%dma_start3A_27 : memref<128xi32, #tpu.memory_space<vmem>>) semaphore(%arg8 : memref<!tpu.dma_semaphore, #tpu.memory_space<semaphore_mem>>)
    %dma_wait3A_31 = arith.constant 1 : i32
    %dma_wait3A_32 = arith.constant 0 : i32
    %dma_wait3A_33 = tpu.memref_slice %arg5[%dma_wait3A_31, %dma_wait3A_32] : memref<24x128xi32, #tpu.memory_space<vmem>> -> memref<1x128xi32, #tpu.memory_space<vmem>>
    %dma_wait3A_34 = tpu.memref_squeeze %dma_wait3A_33 : memref<1x128xi32, #tpu.memory_space<vmem>> -> memref<128xi32, #tpu.memory_space<vmem>>
    %dma_wait3A_35 = arith.constant 0 : i32
    %dma_wait3A_36 = arith.constant 0 : i32
    %dma_wait3A_37 = tpu.memref_slice %arg2[%dma_wait3A_35, %dma_wait3A_36] : memref<2048x32xf32, #tpu.memory_space<hbm>> -> memref<2048x32xf32, #tpu.memory_space<hbm>>
    tpu.wait_indirect_dma semaphore(%arg9 : memref<!tpu.dma_semaphore, #tpu.memory_space<semaphore_mem>>) src(%dma_wait3A_37 : memref<2048x32xf32, #tpu.memory_space<hbm>>) dst(%arg7 : memref<128x32xf32, #tpu.memory_space<vmem>>)
    %add3A_38 = arith.constant 128 : i32
    %add3A_39 = arith.addi %mul3A_2, %add3A_38 : i32
    "tpu.region"() ({
      %run_scoped3A = tpu.sem_alloc : memref<!tpu.dma_semaphore, #tpu.memory_space<semaphore_mem>>
      %dma_start3A_385 = arith.constant 0 : i32
      %dma_start3A_386 = tpu.memref_slice %arg4[%add3A_39, %dma_start3A_385] : memref<98304x32xf32, #tpu.memory_space<hbm>> -> memref<128x32xf32, #tpu.memory_space<hbm>>
      %dma_start3A_387 = arith.constant 0 : i32
      %dma_start3A_388 = tpu.memref_slice %arg4[%add3A_39, %dma_start3A_387] : memref<98304x32xf32, #tpu.memory_space<hbm>> -> memref<128x32xf32, #tpu.memory_space<hbm>>
      tpu.enqueue_dma source(%arg7 : memref<128x32xf32, #tpu.memory_space<vmem>>) target(%dma_start3A_388 : memref<128x32xf32, #tpu.memory_space<hbm>>) target_semaphore(%run_scoped3A : memref<!tpu.dma_semaphore, #tpu.memory_space<semaphore_mem>>)
      %dma_wait3A_389 = arith.constant 0 : i32
      %dma_wait3A_390 = tpu.memref_slice %arg4[%add3A_39, %dma_wait3A_389] : memref<98304x32xf32, #tpu.memory_space<hbm>> -> memref<128x32xf32, #tpu.memory_space<hbm>>
      %dma_wait3A_391 = arith.constant 0 : i32
      %dma_wait3A_392 = tpu.memref_slice %arg4[%add3A_39, %dma_wait3A_391] : memref<98304x32xf32, #tpu.memory_space<hbm>> -> memref<128x32xf32, #tpu.memory_space<hbm>>
      tpu.wait_dma2 semaphore(%run_scoped3A : memref<!tpu.dma_semaphore, #tpu.memory_space<semaphore_mem>>) src(%arg7 : memref<128x32xf32, #tpu.memory_space<vmem>>) dst(%dma_wait3A_392 : memref<128x32xf32, #tpu.memory_space<hbm>>)
      tpu.yield
    }) : () -> ()
    %dma_start3A_40 = arith.constant 3 : i32
    %dma_start3A_41 = arith.constant 0 : i32
    %dma_start3A_42 = tpu.memref_slice %arg5[%dma_start3A_40, %dma_start3A_41] : memref<24x128xi32, #tpu.memory_space<vmem>> -> memref<1x128xi32, #tpu.memory_space<vmem>>
    %dma_start3A_43 = tpu.memref_squeeze %dma_start3A_42 : memref<1x128xi32, #tpu.memory_space<vmem>> -> memref<128xi32, #tpu.memory_space<vmem>>
    %dma_start3A_44 = arith.constant 0 : i32
    %dma_start3A_45 = arith.constant 0 : i32
    %dma_start3A_46 = tpu.memref_slice %arg2[%dma_start3A_44, %dma_start3A_45] : memref<2048x32xf32, #tpu.memory_space<hbm>> -> memref<2048x32xf32, #tpu.memory_space<hbm>>
    tpu.enqueue_indirect_dma source(%dma_start3A_46 : memref<2048x32xf32, #tpu.memory_space<hbm>>) target(%arg7 : memref<128x32xf32, #tpu.memory_space<vmem>>) offsets(%dma_start3A_43 : memref<128xi32, #tpu.memory_space<vmem>>) semaphore(%arg9 : memref<!tpu.dma_semaphore, #tpu.memory_space<semaphore_mem>>)
    %dma_wait3A_47 = arith.constant 2 : i32
    %dma_wait3A_48 = arith.constant 0 : i32
    %dma_wait3A_49 = tpu.memref_slice %arg5[%dma_wait3A_47, %dma_wait3A_48] : memref<24x128xi32, #tpu.memory_space<vmem>> -> memref<1x128xi32, #tpu.memory_space<vmem>>
    %dma_wait3A_50 = tpu.memref_squeeze %dma_wait3A_49 : memref<1x128xi32, #tpu.memory_space<vmem>> -> memref<128xi32, #tpu.memory_space<vmem>>
    %dma_wait3A_51 = arith.constant 0 : i32
    %dma_wait3A_52 = arith.constant 0 : i32
    %dma_wait3A_53 = tpu.memref_slice %arg2[%dma_wait3A_51, %dma_wait3A_52] : memref<2048x32xf32, #tpu.memory_space<hbm>> -> memref<2048x32xf32, #tpu.memory_space<hbm>>
    tpu.wait_indirect_dma semaphore(%arg8 : memref<!tpu.dma_semaphore, #tpu.memory_space<semaphore_mem>>) src(%dma_wait3A_53 : memref<2048x32xf32, #tpu.memory_space<hbm>>) dst(%arg6 : memref<128x32xf32, #tpu.memory_space<vmem>>)
    %add3A_54 = arith.constant 256 : i32
    %add3A_55 = arith.addi %mul3A_2, %add3A_54 : i32
    "tpu.region"() ({
      %run_scoped3A = tpu.sem_alloc : memref<!tpu.dma_semaphore, #tpu.memory_space<semaphore_mem>>
      %dma_start3A_385 = arith.constant 0 : i32
      %dma_start3A_386 = tpu.memref_slice %arg4[%add3A_55, %dma_start3A_385] : memref<98304x32xf32, #tpu.memory_space<hbm>> -> memref<128x32xf32, #tpu.memory_space<hbm>>
      %dma_start3A_387 = arith.constant 0 : i32
      %dma_start3A_388 = tpu.memref_slice %arg4[%add3A_55, %dma_start3A_387] : memref<98304x32xf32, #tpu.memory_space<hbm>> -> memref<128x32xf32, #tpu.memory_space<hbm>>
      tpu.enqueue_dma source(%arg6 : memref<128x32xf32, #tpu.memory_space<vmem>>) target(%dma_start3A_388 : memref<128x32xf32, #tpu.memory_space<hbm>>) target_semaphore(%run_scoped3A : memref<!tpu.dma_semaphore, #tpu.memory_space<semaphore_mem>>)
      %dma_wait3A_389 = arith.constant 0 : i32
      %dma_wait3A_390 = tpu.memref_slice %arg4[%add3A_55, %dma_wait3A_389] : memref<98304x32xf32, #tpu.memory_space<hbm>> -> memref<128x32xf32, #tpu.memory_space<hbm>>
      %dma_wait3A_391 = arith.constant 0 : i32
      %dma_wait3A_392 = tpu.memref_slice %arg4[%add3A_55, %dma_wait3A_391] : memref<98304x32xf32, #tpu.memory_space<hbm>> -> memref<128x32xf32, #tpu.memory_space<hbm>>
      tpu.wait_dma2 semaphore(%run_scoped3A : memref<!tpu.dma_semaphore, #tpu.memory_space<semaphore_mem>>) src(%arg6 : memref<128x32xf32, #tpu.memory_space<vmem>>) dst(%dma_wait3A_392 : memref<128x32xf32, #tpu.memory_space<hbm>>)
      tpu.yield
    }) : () -> ()
    %dma_start3A_56 = arith.constant 4 : i32
    %dma_start3A_57 = arith.constant 0 : i32
    %dma_start3A_58 = tpu.memref_slice %arg5[%dma_start3A_56, %dma_start3A_57] : memref<24x128xi32, #tpu.memory_space<vmem>> -> memref<1x128xi32, #tpu.memory_space<vmem>>
    %dma_start3A_59 = tpu.memref_squeeze %dma_start3A_58 : memref<1x128xi32, #tpu.memory_space<vmem>> -> memref<128xi32, #tpu.memory_space<vmem>>
    %dma_start3A_60 = arith.constant 0 : i32
    %dma_start3A_61 = arith.constant 0 : i32
    %dma_start3A_62 = tpu.memref_slice %arg2[%dma_start3A_60, %dma_start3A_61] : memref<2048x32xf32, #tpu.memory_space<hbm>> -> memref<2048x32xf32, #tpu.memory_space<hbm>>
    tpu.enqueue_indirect_dma source(%dma_start3A_62 : memref<2048x32xf32, #tpu.memory_space<hbm>>) target(%arg6 : memref<128x32xf32, #tpu.memory_space<vmem>>) offsets(%dma_start3A_59 : memref<128xi32, #tpu.memory_space<vmem>>) semaphore(%arg8 : memref<!tpu.dma_semaphore, #tpu.memory_space<semaphore_mem>>)
    %dma_wait3A_63 = arith.constant 3 : i32
    %dma_wait3A_64 = arith.constant 0 : i32
    %dma_wait3A_65 = tpu.memref_slice %arg5[%dma_wait3A_63, %dma_wait3A_64] : memref<24x128xi32, #tpu.memory_space<vmem>> -> memref<1x128xi32, #tpu.memory_space<vmem>>
    %dma_wait3A_66 = tpu.memref_squeeze %dma_wait3A_65 : memref<1x128xi32, #tpu.memory_space<vmem>> -> memref<128xi32, #tpu.memory_space<vmem>>
    %dma_wait3A_67 = arith.constant 0 : i32
    %dma_wait3A_68 = arith.constant 0 : i32
    %dma_wait3A_69 = tpu.memref_slice %arg2[%dma_wait3A_67, %dma_wait3A_68] : memref<2048x32xf32, #tpu.memory_space<hbm>> -> memref<2048x32xf32, #tpu.memory_space<hbm>>
    tpu.wait_indirect_dma semaphore(%arg9 : memref<!tpu.dma_semaphore, #tpu.memory_space<semaphore_mem>>) src(%dma_wait3A_69 : memref<2048x32xf32, #tpu.memory_space<hbm>>) dst(%arg7 : memref<128x32xf32, #tpu.memory_space<vmem>>)
    %add3A_70 = arith.constant 384 : i32
    %add3A_71 = arith.addi %mul3A_2, %add3A_70 : i32
    "tpu.region"() ({
      %run_scoped3A = tpu.sem_alloc : memref<!tpu.dma_semaphore, #tpu.memory_space<semaphore_mem>>
      %dma_start3A_385 = arith.constant 0 : i32
      %dma_start3A_386 = tpu.memref_slice %arg4[%add3A_71, %dma_start3A_385] : memref<98304x32xf32, #tpu.memory_space<hbm>> -> memref<128x32xf32, #tpu.memory_space<hbm>>
      %dma_start3A_387 = arith.constant 0 : i32
      %dma_start3A_388 = tpu.memref_slice %arg4[%add3A_71, %dma_start3A_387] : memref<98304x32xf32, #tpu.memory_space<hbm>> -> memref<128x32xf32, #tpu.memory_space<hbm>>
      tpu.enqueue_dma source(%arg7 : memref<128x32xf32, #tpu.memory_space<vmem>>) target(%dma_start3A_388 : memref<128x32xf32, #tpu.memory_space<hbm>>) target_semaphore(%run_scoped3A : memref<!tpu.dma_semaphore, #tpu.memory_space<semaphore_mem>>)
      %dma_wait3A_389 = arith.constant 0 : i32
      %dma_wait3A_390 = tpu.memref_slice %arg4[%add3A_71, %dma_wait3A_389] : memref<98304x32xf32, #tpu.memory_space<hbm>> -> memref<128x32xf32, #tpu.memory_space<hbm>>
      %dma_wait3A_391 = arith.constant 0 : i32
      %dma_wait3A_392 = tpu.memref_slice %arg4[%add3A_71, %dma_wait3A_391] : memref<98304x32xf32, #tpu.memory_space<hbm>> -> memref<128x32xf32, #tpu.memory_space<hbm>>
      tpu.wait_dma2 semaphore(%run_scoped3A : memref<!tpu.dma_semaphore, #tpu.memory_space<semaphore_mem>>) src(%arg7 : memref<128x32xf32, #tpu.memory_space<vmem>>) dst(%dma_wait3A_392 : memref<128x32xf32, #tpu.memory_space<hbm>>)
      tpu.yield
    }) : () -> ()
    %dma_start3A_72 = arith.constant 5 : i32
    %dma_start3A_73 = arith.constant 0 : i32
    %dma_start3A_74 = tpu.memref_slice %arg5[%dma_start3A_72, %dma_start3A_73] : memref<24x128xi32, #tpu.memory_space<vmem>> -> memref<1x128xi32, #tpu.memory_space<vmem>>
    %dma_start3A_75 = tpu.memref_squeeze %dma_start3A_74 : memref<1x128xi32, #tpu.memory_space<vmem>> -> memref<128xi32, #tpu.memory_space<vmem>>
    %dma_start3A_76 = arith.constant 0 : i32
    %dma_start3A_77 = arith.constant 0 : i32
    %dma_start3A_78 = tpu.memref_slice %arg2[%dma_start3A_76, %dma_start3A_77] : memref<2048x32xf32, #tpu.memory_space<hbm>> -> memref<2048x32xf32, #tpu.memory_space<hbm>>
    tpu.enqueue_indirect_dma source(%dma_start3A_78 : memref<2048x32xf32, #tpu.memory_space<hbm>>) target(%arg7 : memref<128x32xf32, #tpu.memory_space<vmem>>) offsets(%dma_start3A_75 : memref<128xi32, #tpu.memory_space<vmem>>) semaphore(%arg9 : memref<!tpu.dma_semaphore, #tpu.memory_space<semaphore_mem>>)
    %dma_wait3A_79 = arith.constant 4 : i32
    %dma_wait3A_80 = arith.constant 0 : i32
    %dma_wait3A_81 = tpu.memref_slice %arg5[%dma_wait3A_79, %dma_wait3A_80] : memref<24x128xi32, #tpu.memory_space<vmem>> -> memref<1x128xi32, #tpu.memory_space<vmem>>
    %dma_wait3A_82 = tpu.memref_squeeze %dma_wait3A_81 : memref<1x128xi32, #tpu.memory_space<vmem>> -> memref<128xi32, #tpu.memory_space<vmem>>
    %dma_wait3A_83 = arith.constant 0 : i32
    %dma_wait3A_84 = arith.constant 0 : i32
    %dma_wait3A_85 = tpu.memref_slice %arg2[%dma_wait3A_83, %dma_wait3A_84] : memref<2048x32xf32, #tpu.memory_space<hbm>> -> memref<2048x32xf32, #tpu.memory_space<hbm>>
    tpu.wait_indirect_dma semaphore(%arg8 : memref<!tpu.dma_semaphore, #tpu.memory_space<semaphore_mem>>) src(%dma_wait3A_85 : memref<2048x32xf32, #tpu.memory_space<hbm>>) dst(%arg6 : memref<128x32xf32, #tpu.memory_space<vmem>>)
    %add3A_86 = arith.constant 512 : i32
    %add3A_87 = arith.addi %mul3A_2, %add3A_86 : i32
    "tpu.region"() ({
      %run_scoped3A = tpu.sem_alloc : memref<!tpu.dma_semaphore, #tpu.memory_space<semaphore_mem>>
      %dma_start3A_385 = arith.constant 0 : i32
      %dma_start3A_386 = tpu.memref_slice %arg4[%add3A_87, %dma_start3A_385] : memref<98304x32xf32, #tpu.memory_space<hbm>> -> memref<128x32xf32, #tpu.memory_space<hbm>>
      %dma_start3A_387 = arith.constant 0 : i32
      %dma_start3A_388 = tpu.memref_slice %arg4[%add3A_87, %dma_start3A_387] : memref<98304x32xf32, #tpu.memory_space<hbm>> -> memref<128x32xf32, #tpu.memory_space<hbm>>
      tpu.enqueue_dma source(%arg6 : memref<128x32xf32, #tpu.memory_space<vmem>>) target(%dma_start3A_388 : memref<128x32xf32, #tpu.memory_space<hbm>>) target_semaphore(%run_scoped3A : memref<!tpu.dma_semaphore, #tpu.memory_space<semaphore_mem>>)
      %dma_wait3A_389 = arith.constant 0 : i32
      %dma_wait3A_390 = tpu.memref_slice %arg4[%add3A_87, %dma_wait3A_389] : memref<98304x32xf32, #tpu.memory_space<hbm>> -> memref<128x32xf32, #tpu.memory_space<hbm>>
      %dma_wait3A_391 = arith.constant 0 : i32
      %dma_wait3A_392 = tpu.memref_slice %arg4[%add3A_87, %dma_wait3A_391] : memref<98304x32xf32, #tpu.memory_space<hbm>> -> memref<128x32xf32, #tpu.memory_space<hbm>>
      tpu.wait_dma2 semaphore(%run_scoped3A : memref<!tpu.dma_semaphore, #tpu.memory_space<semaphore_mem>>) src(%arg6 : memref<128x32xf32, #tpu.memory_space<vmem>>) dst(%dma_wait3A_392 : memref<128x32xf32, #tpu.memory_space<hbm>>)
      tpu.yield
    }) : () -> ()
    %dma_start3A_88 = arith.constant 6 : i32
    %dma_start3A_89 = arith.constant 0 : i32
    %dma_start3A_90 = tpu.memref_slice %arg5[%dma_start3A_88, %dma_start3A_89] : memref<24x128xi32, #tpu.memory_space<vmem>> -> memref<1x128xi32, #tpu.memory_space<vmem>>
    %dma_start3A_91 = tpu.memref_squeeze %dma_start3A_90 : memref<1x128xi32, #tpu.memory_space<vmem>> -> memref<128xi32, #tpu.memory_space<vmem>>
    %dma_start3A_92 = arith.constant 0 : i32
    %dma_start3A_93 = arith.constant 0 : i32
    %dma_start3A_94 = tpu.memref_slice %arg2[%dma_start3A_92, %dma_start3A_93] : memref<2048x32xf32, #tpu.memory_space<hbm>> -> memref<2048x32xf32, #tpu.memory_space<hbm>>
    tpu.enqueue_indirect_dma source(%dma_start3A_94 : memref<2048x32xf32, #tpu.memory_space<hbm>>) target(%arg6 : memref<128x32xf32, #tpu.memory_space<vmem>>) offsets(%dma_start3A_91 : memref<128xi32, #tpu.memory_space<vmem>>) semaphore(%arg8 : memref<!tpu.dma_semaphore, #tpu.memory_space<semaphore_mem>>)
    %dma_wait3A_95 = arith.constant 5 : i32
    %dma_wait3A_96 = arith.constant 0 : i32
    %dma_wait3A_97 = tpu.memref_slice %arg5[%dma_wait3A_95, %dma_wait3A_96] : memref<24x128xi32, #tpu.memory_space<vmem>> -> memref<1x128xi32, #tpu.memory_space<vmem>>
    %dma_wait3A_98 = tpu.memref_squeeze %dma_wait3A_97 : memref<1x128xi32, #tpu.memory_space<vmem>> -> memref<128xi32, #tpu.memory_space<vmem>>
    %dma_wait3A_99 = arith.constant 0 : i32
    %dma_wait3A_100 = arith.constant 0 : i32
    %dma_wait3A_101 = tpu.memref_slice %arg2[%dma_wait3A_99, %dma_wait3A_100] : memref<2048x32xf32, #tpu.memory_space<hbm>> -> memref<2048x32xf32, #tpu.memory_space<hbm>>
    tpu.wait_indirect_dma semaphore(%arg9 : memref<!tpu.dma_semaphore, #tpu.memory_space<semaphore_mem>>) src(%dma_wait3A_101 : memref<2048x32xf32, #tpu.memory_space<hbm>>) dst(%arg7 : memref<128x32xf32, #tpu.memory_space<vmem>>)
    %add3A_102 = arith.constant 640 : i32
    %add3A_103 = arith.addi %mul3A_2, %add3A_102 : i32
    "tpu.region"() ({
      %run_scoped3A = tpu.sem_alloc : memref<!tpu.dma_semaphore, #tpu.memory_space<semaphore_mem>>
      %dma_start3A_385 = arith.constant 0 : i32
      %dma_start3A_386 = tpu.memref_slice %arg4[%add3A_103, %dma_start3A_385] : memref<98304x32xf32, #tpu.memory_space<hbm>> -> memref<128x32xf32, #tpu.memory_space<hbm>>
      %dma_start3A_387 = arith.constant 0 : i32
      %dma_start3A_388 = tpu.memref_slice %arg4[%add3A_103, %dma_start3A_387] : memref<98304x32xf32, #tpu.memory_space<hbm>> -> memref<128x32xf32, #tpu.memory_space<hbm>>
      tpu.enqueue_dma source(%arg7 : memref<128x32xf32, #tpu.memory_space<vmem>>) target(%dma_start3A_388 : memref<128x32xf32, #tpu.memory_space<hbm>>) target_semaphore(%run_scoped3A : memref<!tpu.dma_semaphore, #tpu.memory_space<semaphore_mem>>)
      %dma_wait3A_389 = arith.constant 0 : i32
      %dma_wait3A_390 = tpu.memref_slice %arg4[%add3A_103, %dma_wait3A_389] : memref<98304x32xf32, #tpu.memory_space<hbm>> -> memref<128x32xf32, #tpu.memory_space<hbm>>
      %dma_wait3A_391 = arith.constant 0 : i32
      %dma_wait3A_392 = tpu.memref_slice %arg4[%add3A_103, %dma_wait3A_391] : memref<98304x32xf32, #tpu.memory_space<hbm>> -> memref<128x32xf32, #tpu.memory_space<hbm>>
      tpu.wait_dma2 semaphore(%run_scoped3A : memref<!tpu.dma_semaphore, #tpu.memory_space<semaphore_mem>>) src(%arg7 : memref<128x32xf32, #tpu.memory_space<vmem>>) dst(%dma_wait3A_392 : memref<128x32xf32, #tpu.memory_space<hbm>>)
      tpu.yield
    }) : () -> ()
    %dma_start3A_104 = arith.constant 7 : i32
    %dma_start3A_105 = arith.constant 0 : i32
    %dma_start3A_106 = tpu.memref_slice %arg5[%dma_start3A_104, %dma_start3A_105] : memref<24x128xi32, #tpu.memory_space<vmem>> -> memref<1x128xi32, #tpu.memory_space<vmem>>
    %dma_start3A_107 = tpu.memref_squeeze %dma_start3A_106 : memref<1x128xi32, #tpu.memory_space<vmem>> -> memref<128xi32, #tpu.memory_space<vmem>>
    %dma_start3A_108 = arith.constant 0 : i32
    %dma_start3A_109 = arith.constant 0 : i32
    %dma_start3A_110 = tpu.memref_slice %arg2[%dma_start3A_108, %dma_start3A_109] : memref<2048x32xf32, #tpu.memory_space<hbm>> -> memref<2048x32xf32, #tpu.memory_space<hbm>>
    tpu.enqueue_indirect_dma source(%dma_start3A_110 : memref<2048x32xf32, #tpu.memory_space<hbm>>) target(%arg7 : memref<128x32xf32, #tpu.memory_space<vmem>>) offsets(%dma_start3A_107 : memref<128xi32, #tpu.memory_space<vmem>>) semaphore(%arg9 : memref<!tpu.dma_semaphore, #tpu.memory_space<semaphore_mem>>)
    %dma_wait3A_111 = arith.constant 6 : i32
    %dma_wait3A_112 = arith.constant 0 : i32
    %dma_wait3A_113 = tpu.memref_slice %arg5[%dma_wait3A_111, %dma_wait3A_112] : memref<24x128xi32, #tpu.memory_space<vmem>> -> memref<1x128xi32, #tpu.memory_space<vmem>>
    %dma_wait3A_114 = tpu.memref_squeeze %dma_wait3A_113 : memref<1x128xi32, #tpu.memory_space<vmem>> -> memref<128xi32, #tpu.memory_space<vmem>>
    %dma_wait3A_115 = arith.constant 0 : i32
    %dma_wait3A_116 = arith.constant 0 : i32
    %dma_wait3A_117 = tpu.memref_slice %arg2[%dma_wait3A_115, %dma_wait3A_116] : memref<2048x32xf32, #tpu.memory_space<hbm>> -> memref<2048x32xf32, #tpu.memory_space<hbm>>
    tpu.wait_indirect_dma semaphore(%arg8 : memref<!tpu.dma_semaphore, #tpu.memory_space<semaphore_mem>>) src(%dma_wait3A_117 : memref<2048x32xf32, #tpu.memory_space<hbm>>) dst(%arg6 : memref<128x32xf32, #tpu.memory_space<vmem>>)
    %add3A_118 = arith.constant 768 : i32
    %add3A_119 = arith.addi %mul3A_2, %add3A_118 : i32
    "tpu.region"() ({
      %run_scoped3A = tpu.sem_alloc : memref<!tpu.dma_semaphore, #tpu.memory_space<semaphore_mem>>
      %dma_start3A_385 = arith.constant 0 : i32
      %dma_start3A_386 = tpu.memref_slice %arg4[%add3A_119, %dma_start3A_385] : memref<98304x32xf32, #tpu.memory_space<hbm>> -> memref<128x32xf32, #tpu.memory_space<hbm>>
      %dma_start3A_387 = arith.constant 0 : i32
      %dma_start3A_388 = tpu.memref_slice %arg4[%add3A_119, %dma_start3A_387] : memref<98304x32xf32, #tpu.memory_space<hbm>> -> memref<128x32xf32, #tpu.memory_space<hbm>>
      tpu.enqueue_dma source(%arg6 : memref<128x32xf32, #tpu.memory_space<vmem>>) target(%dma_start3A_388 : memref<128x32xf32, #tpu.memory_space<hbm>>) target_semaphore(%run_scoped3A : memref<!tpu.dma_semaphore, #tpu.memory_space<semaphore_mem>>)
      %dma_wait3A_389 = arith.constant 0 : i32
      %dma_wait3A_390 = tpu.memref_slice %arg4[%add3A_119, %dma_wait3A_389] : memref<98304x32xf32, #tpu.memory_space<hbm>> -> memref<128x32xf32, #tpu.memory_space<hbm>>
      %dma_wait3A_391 = arith.constant 0 : i32
      %dma_wait3A_392 = tpu.memref_slice %arg4[%add3A_119, %dma_wait3A_391] : memref<98304x32xf32, #tpu.memory_space<hbm>> -> memref<128x32xf32, #tpu.memory_space<hbm>>
      tpu.wait_dma2 semaphore(%run_scoped3A : memref<!tpu.dma_semaphore, #tpu.memory_space<semaphore_mem>>) src(%arg6 : memref<128x32xf32, #tpu.memory_space<vmem>>) dst(%dma_wait3A_392 : memref<128x32xf32, #tpu.memory_space<hbm>>)
      tpu.yield
    }) : () -> ()
    %dma_start3A_120 = arith.constant 8 : i32
    %dma_start3A_121 = arith.constant 0 : i32
    %dma_start3A_122 = tpu.memref_slice %arg5[%dma_start3A_120, %dma_start3A_121] : memref<24x128xi32, #tpu.memory_space<vmem>> -> memref<1x128xi32, #tpu.memory_space<vmem>>
    %dma_start3A_123 = tpu.memref_squeeze %dma_start3A_122 : memref<1x128xi32, #tpu.memory_space<vmem>> -> memref<128xi32, #tpu.memory_space<vmem>>
    %dma_start3A_124 = arith.constant 0 : i32
    %dma_start3A_125 = arith.constant 0 : i32
    %dma_start3A_126 = tpu.memref_slice %arg2[%dma_start3A_124, %dma_start3A_125] : memref<2048x32xf32, #tpu.memory_space<hbm>> -> memref<2048x32xf32, #tpu.memory_space<hbm>>
    tpu.enqueue_indirect_dma source(%dma_start3A_126 : memref<2048x32xf32, #tpu.memory_space<hbm>>) target(%arg6 : memref<128x32xf32, #tpu.memory_space<vmem>>) offsets(%dma_start3A_123 : memref<128xi32, #tpu.memory_space<vmem>>) semaphore(%arg8 : memref<!tpu.dma_semaphore, #tpu.memory_space<semaphore_mem>>)
    %dma_wait3A_127 = arith.constant 7 : i32
    %dma_wait3A_128 = arith.constant 0 : i32
    %dma_wait3A_129 = tpu.memref_slice %arg5[%dma_wait3A_127, %dma_wait3A_128] : memref<24x128xi32, #tpu.memory_space<vmem>> -> memref<1x128xi32, #tpu.memory_space<vmem>>
    %dma_wait3A_130 = tpu.memref_squeeze %dma_wait3A_129 : memref<1x128xi32, #tpu.memory_space<vmem>> -> memref<128xi32, #tpu.memory_space<vmem>>
    %dma_wait3A_131 = arith.constant 0 : i32
    %dma_wait3A_132 = arith.constant 0 : i32
    %dma_wait3A_133 = tpu.memref_slice %arg2[%dma_wait3A_131, %dma_wait3A_132] : memref<2048x32xf32, #tpu.memory_space<hbm>> -> memref<2048x32xf32, #tpu.memory_space<hbm>>
    tpu.wait_indirect_dma semaphore(%arg9 : memref<!tpu.dma_semaphore, #tpu.memory_space<semaphore_mem>>) src(%dma_wait3A_133 : memref<2048x32xf32, #tpu.memory_space<hbm>>) dst(%arg7 : memref<128x32xf32, #tpu.memory_space<vmem>>)
    %add3A_134 = arith.constant 896 : i32
    %add3A_135 = arith.addi %mul3A_2, %add3A_134 : i32
    "tpu.region"() ({
      %run_scoped3A = tpu.sem_alloc : memref<!tpu.dma_semaphore, #tpu.memory_space<semaphore_mem>>
      %dma_start3A_385 = arith.constant 0 : i32
      %dma_start3A_386 = tpu.memref_slice %arg4[%add3A_135, %dma_start3A_385] : memref<98304x32xf32, #tpu.memory_space<hbm>> -> memref<128x32xf32, #tpu.memory_space<hbm>>
      %dma_start3A_387 = arith.constant 0 : i32
      %dma_start3A_388 = tpu.memref_slice %arg4[%add3A_135, %dma_start3A_387] : memref<98304x32xf32, #tpu.memory_space<hbm>> -> memref<128x32xf32, #tpu.memory_space<hbm>>
      tpu.enqueue_dma source(%arg7 : memref<128x32xf32, #tpu.memory_space<vmem>>) target(%dma_start3A_388 : memref<128x32xf32, #tpu.memory_space<hbm>>) target_semaphore(%run_scoped3A : memref<!tpu.dma_semaphore, #tpu.memory_space<semaphore_mem>>)
      %dma_wait3A_389 = arith.constant 0 : i32
      %dma_wait3A_390 = tpu.memref_slice %arg4[%add3A_135, %dma_wait3A_389] : memref<98304x32xf32, #tpu.memory_space<hbm>> -> memref<128x32xf32, #tpu.memory_space<hbm>>
      %dma_wait3A_391 = arith.constant 0 : i32
      %dma_wait3A_392 = tpu.memref_slice %arg4[%add3A_135, %dma_wait3A_391] : memref<98304x32xf32, #tpu.memory_space<hbm>> -> memref<128x32xf32, #tpu.memory_space<hbm>>
      tpu.wait_dma2 semaphore(%run_scoped3A : memref<!tpu.dma_semaphore, #tpu.memory_space<semaphore_mem>>) src(%arg7 : memref<128x32xf32, #tpu.memory_space<vmem>>) dst(%dma_wait3A_392 : memref<128x32xf32, #tpu.memory_space<hbm>>)
      tpu.yield
    }) : () -> ()
    %dma_start3A_136 = arith.constant 9 : i32
    %dma_start3A_137 = arith.constant 0 : i32
    %dma_start3A_138 = tpu.memref_slice %arg5[%dma_start3A_136, %dma_start3A_137] : memref<24x128xi32, #tpu.memory_space<vmem>> -> memref<1x128xi32, #tpu.memory_space<vmem>>
    %dma_start3A_139 = tpu.memref_squeeze %dma_start3A_138 : memref<1x128xi32, #tpu.memory_space<vmem>> -> memref<128xi32, #tpu.memory_space<vmem>>
    %dma_start3A_140 = arith.constant 0 : i32
    %dma_start3A_141 = arith.constant 0 : i32
    %dma_start3A_142 = tpu.memref_slice %arg2[%dma_start3A_140, %dma_start3A_141] : memref<2048x32xf32, #tpu.memory_space<hbm>> -> memref<2048x32xf32, #tpu.memory_space<hbm>>
    tpu.enqueue_indirect_dma source(%dma_start3A_142 : memref<2048x32xf32, #tpu.memory_space<hbm>>) target(%arg7 : memref<128x32xf32, #tpu.memory_space<vmem>>) offsets(%dma_start3A_139 : memref<128xi32, #tpu.memory_space<vmem>>) semaphore(%arg9 : memref<!tpu.dma_semaphore, #tpu.memory_space<semaphore_mem>>)
    %dma_wait3A_143 = arith.constant 8 : i32
    %dma_wait3A_144 = arith.constant 0 : i32
    %dma_wait3A_145 = tpu.memref_slice %arg5[%dma_wait3A_143, %dma_wait3A_144] : memref<24x128xi32, #tpu.memory_space<vmem>> -> memref<1x128xi32, #tpu.memory_space<vmem>>
    %dma_wait3A_146 = tpu.memref_squeeze %dma_wait3A_145 : memref<1x128xi32, #tpu.memory_space<vmem>> -> memref<128xi32, #tpu.memory_space<vmem>>
    %dma_wait3A_147 = arith.constant 0 : i32
    %dma_wait3A_148 = arith.constant 0 : i32
    %dma_wait3A_149 = tpu.memref_slice %arg2[%dma_wait3A_147, %dma_wait3A_148] : memref<2048x32xf32, #tpu.memory_space<hbm>> -> memref<2048x32xf32, #tpu.memory_space<hbm>>
    tpu.wait_indirect_dma semaphore(%arg8 : memref<!tpu.dma_semaphore, #tpu.memory_space<semaphore_mem>>) src(%dma_wait3A_149 : memref<2048x32xf32, #tpu.memory_space<hbm>>) dst(%arg6 : memref<128x32xf32, #tpu.memory_space<vmem>>)
    %add3A_150 = arith.constant 1024 : i32
    %add3A_151 = arith.addi %mul3A_2, %add3A_150 : i32
    "tpu.region"() ({
      %run_scoped3A = tpu.sem_alloc : memref<!tpu.dma_semaphore, #tpu.memory_space<semaphore_mem>>
      %dma_start3A_385 = arith.constant 0 : i32
      %dma_start3A_386 = tpu.memref_slice %arg4[%add3A_151, %dma_start3A_385] : memref<98304x32xf32, #tpu.memory_space<hbm>> -> memref<128x32xf32, #tpu.memory_space<hbm>>
      %dma_start3A_387 = arith.constant 0 : i32
      %dma_start3A_388 = tpu.memref_slice %arg4[%add3A_151, %dma_start3A_387] : memref<98304x32xf32, #tpu.memory_space<hbm>> -> memref<128x32xf32, #tpu.memory_space<hbm>>
      tpu.enqueue_dma source(%arg6 : memref<128x32xf32, #tpu.memory_space<vmem>>) target(%dma_start3A_388 : memref<128x32xf32, #tpu.memory_space<hbm>>) target_semaphore(%run_scoped3A : memref<!tpu.dma_semaphore, #tpu.memory_space<semaphore_mem>>)
      %dma_wait3A_389 = arith.constant 0 : i32
      %dma_wait3A_390 = tpu.memref_slice %arg4[%add3A_151, %dma_wait3A_389] : memref<98304x32xf32, #tpu.memory_space<hbm>> -> memref<128x32xf32, #tpu.memory_space<hbm>>
      %dma_wait3A_391 = arith.constant 0 : i32
      %dma_wait3A_392 = tpu.memref_slice %arg4[%add3A_151, %dma_wait3A_391] : memref<98304x32xf32, #tpu.memory_space<hbm>> -> memref<128x32xf32, #tpu.memory_space<hbm>>
      tpu.wait_dma2 semaphore(%run_scoped3A : memref<!tpu.dma_semaphore, #tpu.memory_space<semaphore_mem>>) src(%arg6 : memref<128x32xf32, #tpu.memory_space<vmem>>) dst(%dma_wait3A_392 : memref<128x32xf32, #tpu.memory_space<hbm>>)
      tpu.yield
    }) : () -> ()
    %dma_start3A_152 = arith.constant 10 : i32
    %dma_start3A_153 = arith.constant 0 : i32
    %dma_start3A_154 = tpu.memref_slice %arg5[%dma_start3A_152, %dma_start3A_153] : memref<24x128xi32, #tpu.memory_space<vmem>> -> memref<1x128xi32, #tpu.memory_space<vmem>>
    %dma_start3A_155 = tpu.memref_squeeze %dma_start3A_154 : memref<1x128xi32, #tpu.memory_space<vmem>> -> memref<128xi32, #tpu.memory_space<vmem>>
    %dma_start3A_156 = arith.constant 0 : i32
    %dma_start3A_157 = arith.constant 0 : i32
    %dma_start3A_158 = tpu.memref_slice %arg2[%dma_start3A_156, %dma_start3A_157] : memref<2048x32xf32, #tpu.memory_space<hbm>> -> memref<2048x32xf32, #tpu.memory_space<hbm>>
    tpu.enqueue_indirect_dma source(%dma_start3A_158 : memref<2048x32xf32, #tpu.memory_space<hbm>>) target(%arg6 : memref<128x32xf32, #tpu.memory_space<vmem>>) offsets(%dma_start3A_155 : memref<128xi32, #tpu.memory_space<vmem>>) semaphore(%arg8 : memref<!tpu.dma_semaphore, #tpu.memory_space<semaphore_mem>>)
    %dma_wait3A_159 = arith.constant 9 : i32
    %dma_wait3A_160 = arith.constant 0 : i32
    %dma_wait3A_161 = tpu.memref_slice %arg5[%dma_wait3A_159, %dma_wait3A_160] : memref<24x128xi32, #tpu.memory_space<vmem>> -> memref<1x128xi32, #tpu.memory_space<vmem>>
    %dma_wait3A_162 = tpu.memref_squeeze %dma_wait3A_161 : memref<1x128xi32, #tpu.memory_space<vmem>> -> memref<128xi32, #tpu.memory_space<vmem>>
    %dma_wait3A_163 = arith.constant 0 : i32
    %dma_wait3A_164 = arith.constant 0 : i32
    %dma_wait3A_165 = tpu.memref_slice %arg2[%dma_wait3A_163, %dma_wait3A_164] : memref<2048x32xf32, #tpu.memory_space<hbm>> -> memref<2048x32xf32, #tpu.memory_space<hbm>>
    tpu.wait_indirect_dma semaphore(%arg9 : memref<!tpu.dma_semaphore, #tpu.memory_space<semaphore_mem>>) src(%dma_wait3A_165 : memref<2048x32xf32, #tpu.memory_space<hbm>>) dst(%arg7 : memref<128x32xf32, #tpu.memory_space<vmem>>)
    %add3A_166 = arith.constant 1152 : i32
    %add3A_167 = arith.addi %mul3A_2, %add3A_166 : i32
    "tpu.region"() ({
      %run_scoped3A = tpu.sem_alloc : memref<!tpu.dma_semaphore, #tpu.memory_space<semaphore_mem>>
      %dma_start3A_385 = arith.constant 0 : i32
      %dma_start3A_386 = tpu.memref_slice %arg4[%add3A_167, %dma_start3A_385] : memref<98304x32xf32, #tpu.memory_space<hbm>> -> memref<128x32xf32, #tpu.memory_space<hbm>>
      %dma_start3A_387 = arith.constant 0 : i32
      %dma_start3A_388 = tpu.memref_slice %arg4[%add3A_167, %dma_start3A_387] : memref<98304x32xf32, #tpu.memory_space<hbm>> -> memref<128x32xf32, #tpu.memory_space<hbm>>
      tpu.enqueue_dma source(%arg7 : memref<128x32xf32, #tpu.memory_space<vmem>>) target(%dma_start3A_388 : memref<128x32xf32, #tpu.memory_space<hbm>>) target_semaphore(%run_scoped3A : memref<!tpu.dma_semaphore, #tpu.memory_space<semaphore_mem>>)
      %dma_wait3A_389 = arith.constant 0 : i32
      %dma_wait3A_390 = tpu.memref_slice %arg4[%add3A_167, %dma_wait3A_389] : memref<98304x32xf32, #tpu.memory_space<hbm>> -> memref<128x32xf32, #tpu.memory_space<hbm>>
      %dma_wait3A_391 = arith.constant 0 : i32
      %dma_wait3A_392 = tpu.memref_slice %arg4[%add3A_167, %dma_wait3A_391] : memref<98304x32xf32, #tpu.memory_space<hbm>> -> memref<128x32xf32, #tpu.memory_space<hbm>>
      tpu.wait_dma2 semaphore(%run_scoped3A : memref<!tpu.dma_semaphore, #tpu.memory_space<semaphore_mem>>) src(%arg7 : memref<128x32xf32, #tpu.memory_space<vmem>>) dst(%dma_wait3A_392 : memref<128x32xf32, #tpu.memory_space<hbm>>)
      tpu.yield
    }) : () -> ()
    %dma_start3A_168 = arith.constant 11 : i32
    %dma_start3A_169 = arith.constant 0 : i32
    %dma_start3A_170 = tpu.memref_slice %arg5[%dma_start3A_168, %dma_start3A_169] : memref<24x128xi32, #tpu.memory_space<vmem>> -> memref<1x128xi32, #tpu.memory_space<vmem>>
    %dma_start3A_171 = tpu.memref_squeeze %dma_start3A_170 : memref<1x128xi32, #tpu.memory_space<vmem>> -> memref<128xi32, #tpu.memory_space<vmem>>
    %dma_start3A_172 = arith.constant 0 : i32
    %dma_start3A_173 = arith.constant 0 : i32
    %dma_start3A_174 = tpu.memref_slice %arg2[%dma_start3A_172, %dma_start3A_173] : memref<2048x32xf32, #tpu.memory_space<hbm>> -> memref<2048x32xf32, #tpu.memory_space<hbm>>
    tpu.enqueue_indirect_dma source(%dma_start3A_174 : memref<2048x32xf32, #tpu.memory_space<hbm>>) target(%arg7 : memref<128x32xf32, #tpu.memory_space<vmem>>) offsets(%dma_start3A_171 : memref<128xi32, #tpu.memory_space<vmem>>) semaphore(%arg9 : memref<!tpu.dma_semaphore, #tpu.memory_space<semaphore_mem>>)
    %dma_wait3A_175 = arith.constant 10 : i32
    %dma_wait3A_176 = arith.constant 0 : i32
    %dma_wait3A_177 = tpu.memref_slice %arg5[%dma_wait3A_175, %dma_wait3A_176] : memref<24x128xi32, #tpu.memory_space<vmem>> -> memref<1x128xi32, #tpu.memory_space<vmem>>
    %dma_wait3A_178 = tpu.memref_squeeze %dma_wait3A_177 : memref<1x128xi32, #tpu.memory_space<vmem>> -> memref<128xi32, #tpu.memory_space<vmem>>
    %dma_wait3A_179 = arith.constant 0 : i32
    %dma_wait3A_180 = arith.constant 0 : i32
    %dma_wait3A_181 = tpu.memref_slice %arg2[%dma_wait3A_179, %dma_wait3A_180] : memref<2048x32xf32, #tpu.memory_space<hbm>> -> memref<2048x32xf32, #tpu.memory_space<hbm>>
    tpu.wait_indirect_dma semaphore(%arg8 : memref<!tpu.dma_semaphore, #tpu.memory_space<semaphore_mem>>) src(%dma_wait3A_181 : memref<2048x32xf32, #tpu.memory_space<hbm>>) dst(%arg6 : memref<128x32xf32, #tpu.memory_space<vmem>>)
    %add3A_182 = arith.constant 1280 : i32
    %add3A_183 = arith.addi %mul3A_2, %add3A_182 : i32
    "tpu.region"() ({
      %run_scoped3A = tpu.sem_alloc : memref<!tpu.dma_semaphore, #tpu.memory_space<semaphore_mem>>
      %dma_start3A_385 = arith.constant 0 : i32
      %dma_start3A_386 = tpu.memref_slice %arg4[%add3A_183, %dma_start3A_385] : memref<98304x32xf32, #tpu.memory_space<hbm>> -> memref<128x32xf32, #tpu.memory_space<hbm>>
      %dma_start3A_387 = arith.constant 0 : i32
      %dma_start3A_388 = tpu.memref_slice %arg4[%add3A_183, %dma_start3A_387] : memref<98304x32xf32, #tpu.memory_space<hbm>> -> memref<128x32xf32, #tpu.memory_space<hbm>>
      tpu.enqueue_dma source(%arg6 : memref<128x32xf32, #tpu.memory_space<vmem>>) target(%dma_start3A_388 : memref<128x32xf32, #tpu.memory_space<hbm>>) target_semaphore(%run_scoped3A : memref<!tpu.dma_semaphore, #tpu.memory_space<semaphore_mem>>)
      %dma_wait3A_389 = arith.constant 0 : i32
      %dma_wait3A_390 = tpu.memref_slice %arg4[%add3A_183, %dma_wait3A_389] : memref<98304x32xf32, #tpu.memory_space<hbm>> -> memref<128x32xf32, #tpu.memory_space<hbm>>
      %dma_wait3A_391 = arith.constant 0 : i32
      %dma_wait3A_392 = tpu.memref_slice %arg4[%add3A_183, %dma_wait3A_391] : memref<98304x32xf32, #tpu.memory_space<hbm>> -> memref<128x32xf32, #tpu.memory_space<hbm>>
      tpu.wait_dma2 semaphore(%run_scoped3A : memref<!tpu.dma_semaphore, #tpu.memory_space<semaphore_mem>>) src(%arg6 : memref<128x32xf32, #tpu.memory_space<vmem>>) dst(%dma_wait3A_392 : memref<128x32xf32, #tpu.memory_space<hbm>>)
      tpu.yield
    }) : () -> ()
    %dma_start3A_184 = arith.constant 12 : i32
    %dma_start3A_185 = arith.constant 0 : i32
    %dma_start3A_186 = tpu.memref_slice %arg5[%dma_start3A_184, %dma_start3A_185] : memref<24x128xi32, #tpu.memory_space<vmem>> -> memref<1x128xi32, #tpu.memory_space<vmem>>
    %dma_start3A_187 = tpu.memref_squeeze %dma_start3A_186 : memref<1x128xi32, #tpu.memory_space<vmem>> -> memref<128xi32, #tpu.memory_space<vmem>>
    %dma_start3A_188 = arith.constant 0 : i32
    %dma_start3A_189 = arith.constant 0 : i32
    %dma_start3A_190 = tpu.memref_slice %arg2[%dma_start3A_188, %dma_start3A_189] : memref<2048x32xf32, #tpu.memory_space<hbm>> -> memref<2048x32xf32, #tpu.memory_space<hbm>>
    tpu.enqueue_indirect_dma source(%dma_start3A_190 : memref<2048x32xf32, #tpu.memory_space<hbm>>) target(%arg6 : memref<128x32xf32, #tpu.memory_space<vmem>>) offsets(%dma_start3A_187 : memref<128xi32, #tpu.memory_space<vmem>>) semaphore(%arg8 : memref<!tpu.dma_semaphore, #tpu.memory_space<semaphore_mem>>)
    %dma_wait3A_191 = arith.constant 11 : i32
    %dma_wait3A_192 = arith.constant 0 : i32
    %dma_wait3A_193 = tpu.memref_slice %arg5[%dma_wait3A_191, %dma_wait3A_192] : memref<24x128xi32, #tpu.memory_space<vmem>> -> memref<1x128xi32, #tpu.memory_space<vmem>>
    %dma_wait3A_194 = tpu.memref_squeeze %dma_wait3A_193 : memref<1x128xi32, #tpu.memory_space<vmem>> -> memref<128xi32, #tpu.memory_space<vmem>>
    %dma_wait3A_195 = arith.constant 0 : i32
    %dma_wait3A_196 = arith.constant 0 : i32
    %dma_wait3A_197 = tpu.memref_slice %arg2[%dma_wait3A_195, %dma_wait3A_196] : memref<2048x32xf32, #tpu.memory_space<hbm>> -> memref<2048x32xf32, #tpu.memory_space<hbm>>
    tpu.wait_indirect_dma semaphore(%arg9 : memref<!tpu.dma_semaphore, #tpu.memory_space<semaphore_mem>>) src(%dma_wait3A_197 : memref<2048x32xf32, #tpu.memory_space<hbm>>) dst(%arg7 : memref<128x32xf32, #tpu.memory_space<vmem>>)
    %add3A_198 = arith.constant 1408 : i32
    %add3A_199 = arith.addi %mul3A_2, %add3A_198 : i32
    "tpu.region"() ({
      %run_scoped3A = tpu.sem_alloc : memref<!tpu.dma_semaphore, #tpu.memory_space<semaphore_mem>>
      %dma_start3A_385 = arith.constant 0 : i32
      %dma_start3A_386 = tpu.memref_slice %arg4[%add3A_199, %dma_start3A_385] : memref<98304x32xf32, #tpu.memory_space<hbm>> -> memref<128x32xf32, #tpu.memory_space<hbm>>
      %dma_start3A_387 = arith.constant 0 : i32
      %dma_start3A_388 = tpu.memref_slice %arg4[%add3A_199, %dma_start3A_387] : memref<98304x32xf32, #tpu.memory_space<hbm>> -> memref<128x32xf32, #tpu.memory_space<hbm>>
      tpu.enqueue_dma source(%arg7 : memref<128x32xf32, #tpu.memory_space<vmem>>) target(%dma_start3A_388 : memref<128x32xf32, #tpu.memory_space<hbm>>) target_semaphore(%run_scoped3A : memref<!tpu.dma_semaphore, #tpu.memory_space<semaphore_mem>>)
      %dma_wait3A_389 = arith.constant 0 : i32
      %dma_wait3A_390 = tpu.memref_slice %arg4[%add3A_199, %dma_wait3A_389] : memref<98304x32xf32, #tpu.memory_space<hbm>> -> memref<128x32xf32, #tpu.memory_space<hbm>>
      %dma_wait3A_391 = arith.constant 0 : i32
      %dma_wait3A_392 = tpu.memref_slice %arg4[%add3A_199, %dma_wait3A_391] : memref<98304x32xf32, #tpu.memory_space<hbm>> -> memref<128x32xf32, #tpu.memory_space<hbm>>
      tpu.wait_dma2 semaphore(%run_scoped3A : memref<!tpu.dma_semaphore, #tpu.memory_space<semaphore_mem>>) src(%arg7 : memref<128x32xf32, #tpu.memory_space<vmem>>) dst(%dma_wait3A_392 : memref<128x32xf32, #tpu.memory_space<hbm>>)
      tpu.yield
    }) : () -> ()
    %dma_start3A_200 = arith.constant 13 : i32
    %dma_start3A_201 = arith.constant 0 : i32
    %dma_start3A_202 = tpu.memref_slice %arg5[%dma_start3A_200, %dma_start3A_201] : memref<24x128xi32, #tpu.memory_space<vmem>> -> memref<1x128xi32, #tpu.memory_space<vmem>>
    %dma_start3A_203 = tpu.memref_squeeze %dma_start3A_202 : memref<1x128xi32, #tpu.memory_space<vmem>> -> memref<128xi32, #tpu.memory_space<vmem>>
    %dma_start3A_204 = arith.constant 0 : i32
    %dma_start3A_205 = arith.constant 0 : i32
    %dma_start3A_206 = tpu.memref_slice %arg2[%dma_start3A_204, %dma_start3A_205] : memref<2048x32xf32, #tpu.memory_space<hbm>> -> memref<2048x32xf32, #tpu.memory_space<hbm>>
    tpu.enqueue_indirect_dma source(%dma_start3A_206 : memref<2048x32xf32, #tpu.memory_space<hbm>>) target(%arg7 : memref<128x32xf32, #tpu.memory_space<vmem>>) offsets(%dma_start3A_203 : memref<128xi32, #tpu.memory_space<vmem>>) semaphore(%arg9 : memref<!tpu.dma_semaphore, #tpu.memory_space<semaphore_mem>>)
    %dma_wait3A_207 = arith.constant 12 : i32
    %dma_wait3A_208 = arith.constant 0 : i32
    %dma_wait3A_209 = tpu.memref_slice %arg5[%dma_wait3A_207, %dma_wait3A_208] : memref<24x128xi32, #tpu.memory_space<vmem>> -> memref<1x128xi32, #tpu.memory_space<vmem>>
    %dma_wait3A_210 = tpu.memref_squeeze %dma_wait3A_209 : memref<1x128xi32, #tpu.memory_space<vmem>> -> memref<128xi32, #tpu.memory_space<vmem>>
    %dma_wait3A_211 = arith.constant 0 : i32
    %dma_wait3A_212 = arith.constant 0 : i32
    %dma_wait3A_213 = tpu.memref_slice %arg2[%dma_wait3A_211, %dma_wait3A_212] : memref<2048x32xf32, #tpu.memory_space<hbm>> -> memref<2048x32xf32, #tpu.memory_space<hbm>>
    tpu.wait_indirect_dma semaphore(%arg8 : memref<!tpu.dma_semaphore, #tpu.memory_space<semaphore_mem>>) src(%dma_wait3A_213 : memref<2048x32xf32, #tpu.memory_space<hbm>>) dst(%arg6 : memref<128x32xf32, #tpu.memory_space<vmem>>)
    %add3A_214 = arith.constant 1536 : i32
    %add3A_215 = arith.addi %mul3A_2, %add3A_214 : i32
    "tpu.region"() ({
      %run_scoped3A = tpu.sem_alloc : memref<!tpu.dma_semaphore, #tpu.memory_space<semaphore_mem>>
      %dma_start3A_385 = arith.constant 0 : i32
      %dma_start3A_386 = tpu.memref_slice %arg4[%add3A_215, %dma_start3A_385] : memref<98304x32xf32, #tpu.memory_space<hbm>> -> memref<128x32xf32, #tpu.memory_space<hbm>>
      %dma_start3A_387 = arith.constant 0 : i32
      %dma_start3A_388 = tpu.memref_slice %arg4[%add3A_215, %dma_start3A_387] : memref<98304x32xf32, #tpu.memory_space<hbm>> -> memref<128x32xf32, #tpu.memory_space<hbm>>
      tpu.enqueue_dma source(%arg6 : memref<128x32xf32, #tpu.memory_space<vmem>>) target(%dma_start3A_388 : memref<128x32xf32, #tpu.memory_space<hbm>>) target_semaphore(%run_scoped3A : memref<!tpu.dma_semaphore, #tpu.memory_space<semaphore_mem>>)
      %dma_wait3A_389 = arith.constant 0 : i32
      %dma_wait3A_390 = tpu.memref_slice %arg4[%add3A_215, %dma_wait3A_389] : memref<98304x32xf32, #tpu.memory_space<hbm>> -> memref<128x32xf32, #tpu.memory_space<hbm>>
      %dma_wait3A_391 = arith.constant 0 : i32
      %dma_wait3A_392 = tpu.memref_slice %arg4[%add3A_215, %dma_wait3A_391] : memref<98304x32xf32, #tpu.memory_space<hbm>> -> memref<128x32xf32, #tpu.memory_space<hbm>>
      tpu.wait_dma2 semaphore(%run_scoped3A : memref<!tpu.dma_semaphore, #tpu.memory_space<semaphore_mem>>) src(%arg6 : memref<128x32xf32, #tpu.memory_space<vmem>>) dst(%dma_wait3A_392 : memref<128x32xf32, #tpu.memory_space<hbm>>)
      tpu.yield
    }) : () -> ()
    %dma_start3A_216 = arith.constant 14 : i32
    %dma_start3A_217 = arith.constant 0 : i32
    %dma_start3A_218 = tpu.memref_slice %arg5[%dma_start3A_216, %dma_start3A_217] : memref<24x128xi32, #tpu.memory_space<vmem>> -> memref<1x128xi32, #tpu.memory_space<vmem>>
    %dma_start3A_219 = tpu.memref_squeeze %dma_start3A_218 : memref<1x128xi32, #tpu.memory_space<vmem>> -> memref<128xi32, #tpu.memory_space<vmem>>
    %dma_start3A_220 = arith.constant 0 : i32
    %dma_start3A_221 = arith.constant 0 : i32
    %dma_start3A_222 = tpu.memref_slice %arg2[%dma_start3A_220, %dma_start3A_221] : memref<2048x32xf32, #tpu.memory_space<hbm>> -> memref<2048x32xf32, #tpu.memory_space<hbm>>
    tpu.enqueue_indirect_dma source(%dma_start3A_222 : memref<2048x32xf32, #tpu.memory_space<hbm>>) target(%arg6 : memref<128x32xf32, #tpu.memory_space<vmem>>) offsets(%dma_start3A_219 : memref<128xi32, #tpu.memory_space<vmem>>) semaphore(%arg8 : memref<!tpu.dma_semaphore, #tpu.memory_space<semaphore_mem>>)
    %dma_wait3A_223 = arith.constant 13 : i32
    %dma_wait3A_224 = arith.constant 0 : i32
    %dma_wait3A_225 = tpu.memref_slice %arg5[%dma_wait3A_223, %dma_wait3A_224] : memref<24x128xi32, #tpu.memory_space<vmem>> -> memref<1x128xi32, #tpu.memory_space<vmem>>
    %dma_wait3A_226 = tpu.memref_squeeze %dma_wait3A_225 : memref<1x128xi32, #tpu.memory_space<vmem>> -> memref<128xi32, #tpu.memory_space<vmem>>
    %dma_wait3A_227 = arith.constant 0 : i32
    %dma_wait3A_228 = arith.constant 0 : i32
    %dma_wait3A_229 = tpu.memref_slice %arg2[%dma_wait3A_227, %dma_wait3A_228] : memref<2048x32xf32, #tpu.memory_space<hbm>> -> memref<2048x32xf32, #tpu.memory_space<hbm>>
    tpu.wait_indirect_dma semaphore(%arg9 : memref<!tpu.dma_semaphore, #tpu.memory_space<semaphore_mem>>) src(%dma_wait3A_229 : memref<2048x32xf32, #tpu.memory_space<hbm>>) dst(%arg7 : memref<128x32xf32, #tpu.memory_space<vmem>>)
    %add3A_230 = arith.constant 1664 : i32
    %add3A_231 = arith.addi %mul3A_2, %add3A_230 : i32
    "tpu.region"() ({
      %run_scoped3A = tpu.sem_alloc : memref<!tpu.dma_semaphore, #tpu.memory_space<semaphore_mem>>
      %dma_start3A_385 = arith.constant 0 : i32
      %dma_start3A_386 = tpu.memref_slice %arg4[%add3A_231, %dma_start3A_385] : memref<98304x32xf32, #tpu.memory_space<hbm>> -> memref<128x32xf32, #tpu.memory_space<hbm>>
      %dma_start3A_387 = arith.constant 0 : i32
      %dma_start3A_388 = tpu.memref_slice %arg4[%add3A_231, %dma_start3A_387] : memref<98304x32xf32, #tpu.memory_space<hbm>> -> memref<128x32xf32, #tpu.memory_space<hbm>>
      tpu.enqueue_dma source(%arg7 : memref<128x32xf32, #tpu.memory_space<vmem>>) target(%dma_start3A_388 : memref<128x32xf32, #tpu.memory_space<hbm>>) target_semaphore(%run_scoped3A : memref<!tpu.dma_semaphore, #tpu.memory_space<semaphore_mem>>)
      %dma_wait3A_389 = arith.constant 0 : i32
      %dma_wait3A_390 = tpu.memref_slice %arg4[%add3A_231, %dma_wait3A_389] : memref<98304x32xf32, #tpu.memory_space<hbm>> -> memref<128x32xf32, #tpu.memory_space<hbm>>
      %dma_wait3A_391 = arith.constant 0 : i32
      %dma_wait3A_392 = tpu.memref_slice %arg4[%add3A_231, %dma_wait3A_391] : memref<98304x32xf32, #tpu.memory_space<hbm>> -> memref<128x32xf32, #tpu.memory_space<hbm>>
      tpu.wait_dma2 semaphore(%run_scoped3A : memref<!tpu.dma_semaphore, #tpu.memory_space<semaphore_mem>>) src(%arg7 : memref<128x32xf32, #tpu.memory_space<vmem>>) dst(%dma_wait3A_392 : memref<128x32xf32, #tpu.memory_space<hbm>>)
      tpu.yield
    }) : () -> ()
    %dma_start3A_232 = arith.constant 15 : i32
    %dma_start3A_233 = arith.constant 0 : i32
    %dma_start3A_234 = tpu.memref_slice %arg5[%dma_start3A_232, %dma_start3A_233] : memref<24x128xi32, #tpu.memory_space<vmem>> -> memref<1x128xi32, #tpu.memory_space<vmem>>
    %dma_start3A_235 = tpu.memref_squeeze %dma_start3A_234 : memref<1x128xi32, #tpu.memory_space<vmem>> -> memref<128xi32, #tpu.memory_space<vmem>>
    %dma_start3A_236 = arith.constant 0 : i32
    %dma_start3A_237 = arith.constant 0 : i32
    %dma_start3A_238 = tpu.memref_slice %arg2[%dma_start3A_236, %dma_start3A_237] : memref<2048x32xf32, #tpu.memory_space<hbm>> -> memref<2048x32xf32, #tpu.memory_space<hbm>>
    tpu.enqueue_indirect_dma source(%dma_start3A_238 : memref<2048x32xf32, #tpu.memory_space<hbm>>) target(%arg7 : memref<128x32xf32, #tpu.memory_space<vmem>>) offsets(%dma_start3A_235 : memref<128xi32, #tpu.memory_space<vmem>>) semaphore(%arg9 : memref<!tpu.dma_semaphore, #tpu.memory_space<semaphore_mem>>)
    %dma_wait3A_239 = arith.constant 14 : i32
    %dma_wait3A_240 = arith.constant 0 : i32
    %dma_wait3A_241 = tpu.memref_slice %arg5[%dma_wait3A_239, %dma_wait3A_240] : memref<24x128xi32, #tpu.memory_space<vmem>> -> memref<1x128xi32, #tpu.memory_space<vmem>>
    %dma_wait3A_242 = tpu.memref_squeeze %dma_wait3A_241 : memref<1x128xi32, #tpu.memory_space<vmem>> -> memref<128xi32, #tpu.memory_space<vmem>>
    %dma_wait3A_243 = arith.constant 0 : i32
    %dma_wait3A_244 = arith.constant 0 : i32
    %dma_wait3A_245 = tpu.memref_slice %arg2[%dma_wait3A_243, %dma_wait3A_244] : memref<2048x32xf32, #tpu.memory_space<hbm>> -> memref<2048x32xf32, #tpu.memory_space<hbm>>
    tpu.wait_indirect_dma semaphore(%arg8 : memref<!tpu.dma_semaphore, #tpu.memory_space<semaphore_mem>>) src(%dma_wait3A_245 : memref<2048x32xf32, #tpu.memory_space<hbm>>) dst(%arg6 : memref<128x32xf32, #tpu.memory_space<vmem>>)
    %add3A_246 = arith.constant 1792 : i32
    %add3A_247 = arith.addi %mul3A_2, %add3A_246 : i32
    "tpu.region"() ({
      %run_scoped3A = tpu.sem_alloc : memref<!tpu.dma_semaphore, #tpu.memory_space<semaphore_mem>>
      %dma_start3A_385 = arith.constant 0 : i32
      %dma_start3A_386 = tpu.memref_slice %arg4[%add3A_247, %dma_start3A_385] : memref<98304x32xf32, #tpu.memory_space<hbm>> -> memref<128x32xf32, #tpu.memory_space<hbm>>
      %dma_start3A_387 = arith.constant 0 : i32
      %dma_start3A_388 = tpu.memref_slice %arg4[%add3A_247, %dma_start3A_387] : memref<98304x32xf32, #tpu.memory_space<hbm>> -> memref<128x32xf32, #tpu.memory_space<hbm>>
      tpu.enqueue_dma source(%arg6 : memref<128x32xf32, #tpu.memory_space<vmem>>) target(%dma_start3A_388 : memref<128x32xf32, #tpu.memory_space<hbm>>) target_semaphore(%run_scoped3A : memref<!tpu.dma_semaphore, #tpu.memory_space<semaphore_mem>>)
      %dma_wait3A_389 = arith.constant 0 : i32
      %dma_wait3A_390 = tpu.memref_slice %arg4[%add3A_247, %dma_wait3A_389] : memref<98304x32xf32, #tpu.memory_space<hbm>> -> memref<128x32xf32, #tpu.memory_space<hbm>>
      %dma_wait3A_391 = arith.constant 0 : i32
      %dma_wait3A_392 = tpu.memref_slice %arg4[%add3A_247, %dma_wait3A_391] : memref<98304x32xf32, #tpu.memory_space<hbm>> -> memref<128x32xf32, #tpu.memory_space<hbm>>
      tpu.wait_dma2 semaphore(%run_scoped3A : memref<!tpu.dma_semaphore, #tpu.memory_space<semaphore_mem>>) src(%arg6 : memref<128x32xf32, #tpu.memory_space<vmem>>) dst(%dma_wait3A_392 : memref<128x32xf32, #tpu.memory_space<hbm>>)
      tpu.yield
    }) : () -> ()
    %dma_start3A_248 = arith.constant 16 : i32
    %dma_start3A_249 = arith.constant 0 : i32
    %dma_start3A_250 = tpu.memref_slice %arg5[%dma_start3A_248, %dma_start3A_249] : memref<24x128xi32, #tpu.memory_space<vmem>> -> memref<1x128xi32, #tpu.memory_space<vmem>>
    %dma_start3A_251 = tpu.memref_squeeze %dma_start3A_250 : memref<1x128xi32, #tpu.memory_space<vmem>> -> memref<128xi32, #tpu.memory_space<vmem>>
    %dma_start3A_252 = arith.constant 0 : i32
    %dma_start3A_253 = arith.constant 0 : i32
    %dma_start3A_254 = tpu.memref_slice %arg2[%dma_start3A_252, %dma_start3A_253] : memref<2048x32xf32, #tpu.memory_space<hbm>> -> memref<2048x32xf32, #tpu.memory_space<hbm>>
    tpu.enqueue_indirect_dma source(%dma_start3A_254 : memref<2048x32xf32, #tpu.memory_space<hbm>>) target(%arg6 : memref<128x32xf32, #tpu.memory_space<vmem>>) offsets(%dma_start3A_251 : memref<128xi32, #tpu.memory_space<vmem>>) semaphore(%arg8 : memref<!tpu.dma_semaphore, #tpu.memory_space<semaphore_mem>>)
    %dma_wait3A_255 = arith.constant 15 : i32
    %dma_wait3A_256 = arith.constant 0 : i32
    %dma_wait3A_257 = tpu.memref_slice %arg5[%dma_wait3A_255, %dma_wait3A_256] : memref<24x128xi32, #tpu.memory_space<vmem>> -> memref<1x128xi32, #tpu.memory_space<vmem>>
    %dma_wait3A_258 = tpu.memref_squeeze %dma_wait3A_257 : memref<1x128xi32, #tpu.memory_space<vmem>> -> memref<128xi32, #tpu.memory_space<vmem>>
    %dma_wait3A_259 = arith.constant 0 : i32
    %dma_wait3A_260 = arith.constant 0 : i32
    %dma_wait3A_261 = tpu.memref_slice %arg2[%dma_wait3A_259, %dma_wait3A_260] : memref<2048x32xf32, #tpu.memory_space<hbm>> -> memref<2048x32xf32, #tpu.memory_space<hbm>>
    tpu.wait_indirect_dma semaphore(%arg9 : memref<!tpu.dma_semaphore, #tpu.memory_space<semaphore_mem>>) src(%dma_wait3A_261 : memref<2048x32xf32, #tpu.memory_space<hbm>>) dst(%arg7 : memref<128x32xf32, #tpu.memory_space<vmem>>)
    %add3A_262 = arith.constant 1920 : i32
    %add3A_263 = arith.addi %mul3A_2, %add3A_262 : i32
    "tpu.region"() ({
      %run_scoped3A = tpu.sem_alloc : memref<!tpu.dma_semaphore, #tpu.memory_space<semaphore_mem>>
      %dma_start3A_385 = arith.constant 0 : i32
      %dma_start3A_386 = tpu.memref_slice %arg4[%add3A_263, %dma_start3A_385] : memref<98304x32xf32, #tpu.memory_space<hbm>> -> memref<128x32xf32, #tpu.memory_space<hbm>>
      %dma_start3A_387 = arith.constant 0 : i32
      %dma_start3A_388 = tpu.memref_slice %arg4[%add3A_263, %dma_start3A_387] : memref<98304x32xf32, #tpu.memory_space<hbm>> -> memref<128x32xf32, #tpu.memory_space<hbm>>
      tpu.enqueue_dma source(%arg7 : memref<128x32xf32, #tpu.memory_space<vmem>>) target(%dma_start3A_388 : memref<128x32xf32, #tpu.memory_space<hbm>>) target_semaphore(%run_scoped3A : memref<!tpu.dma_semaphore, #tpu.memory_space<semaphore_mem>>)
      %dma_wait3A_389 = arith.constant 0 : i32
      %dma_wait3A_390 = tpu.memref_slice %arg4[%add3A_263, %dma_wait3A_389] : memref<98304x32xf32, #tpu.memory_space<hbm>> -> memref<128x32xf32, #tpu.memory_space<hbm>>
      %dma_wait3A_391 = arith.constant 0 : i32
      %dma_wait3A_392 = tpu.memref_slice %arg4[%add3A_263, %dma_wait3A_391] : memref<98304x32xf32, #tpu.memory_space<hbm>> -> memref<128x32xf32, #tpu.memory_space<hbm>>
      tpu.wait_dma2 semaphore(%run_scoped3A : memref<!tpu.dma_semaphore, #tpu.memory_space<semaphore_mem>>) src(%arg7 : memref<128x32xf32, #tpu.memory_space<vmem>>) dst(%dma_wait3A_392 : memref<128x32xf32, #tpu.memory_space<hbm>>)
      tpu.yield
    }) : () -> ()
    %dma_start3A_264 = arith.constant 17 : i32
    %dma_start3A_265 = arith.constant 0 : i32
    %dma_start3A_266 = tpu.memref_slice %arg5[%dma_start3A_264, %dma_start3A_265] : memref<24x128xi32, #tpu.memory_space<vmem>> -> memref<1x128xi32, #tpu.memory_space<vmem>>
    %dma_start3A_267 = tpu.memref_squeeze %dma_start3A_266 : memref<1x128xi32, #tpu.memory_space<vmem>> -> memref<128xi32, #tpu.memory_space<vmem>>
    %dma_start3A_268 = arith.constant 0 : i32
    %dma_start3A_269 = arith.constant 0 : i32
    %dma_start3A_270 = tpu.memref_slice %arg2[%dma_start3A_268, %dma_start3A_269] : memref<2048x32xf32, #tpu.memory_space<hbm>> -> memref<2048x32xf32, #tpu.memory_space<hbm>>
    tpu.enqueue_indirect_dma source(%dma_start3A_270 : memref<2048x32xf32, #tpu.memory_space<hbm>>) target(%arg7 : memref<128x32xf32, #tpu.memory_space<vmem>>) offsets(%dma_start3A_267 : memref<128xi32, #tpu.memory_space<vmem>>) semaphore(%arg9 : memref<!tpu.dma_semaphore, #tpu.memory_space<semaphore_mem>>)
    %dma_wait3A_271 = arith.constant 16 : i32
    %dma_wait3A_272 = arith.constant 0 : i32
    %dma_wait3A_273 = tpu.memref_slice %arg5[%dma_wait3A_271, %dma_wait3A_272] : memref<24x128xi32, #tpu.memory_space<vmem>> -> memref<1x128xi32, #tpu.memory_space<vmem>>
    %dma_wait3A_274 = tpu.memref_squeeze %dma_wait3A_273 : memref<1x128xi32, #tpu.memory_space<vmem>> -> memref<128xi32, #tpu.memory_space<vmem>>
    %dma_wait3A_275 = arith.constant 0 : i32
    %dma_wait3A_276 = arith.constant 0 : i32
    %dma_wait3A_277 = tpu.memref_slice %arg2[%dma_wait3A_275, %dma_wait3A_276] : memref<2048x32xf32, #tpu.memory_space<hbm>> -> memref<2048x32xf32, #tpu.memory_space<hbm>>
    tpu.wait_indirect_dma semaphore(%arg8 : memref<!tpu.dma_semaphore, #tpu.memory_space<semaphore_mem>>) src(%dma_wait3A_277 : memref<2048x32xf32, #tpu.memory_space<hbm>>) dst(%arg6 : memref<128x32xf32, #tpu.memory_space<vmem>>)
    %add3A_278 = arith.constant 2048 : i32
    %add3A_279 = arith.addi %mul3A_2, %add3A_278 : i32
    "tpu.region"() ({
      %run_scoped3A = tpu.sem_alloc : memref<!tpu.dma_semaphore, #tpu.memory_space<semaphore_mem>>
      %dma_start3A_385 = arith.constant 0 : i32
      %dma_start3A_386 = tpu.memref_slice %arg4[%add3A_279, %dma_start3A_385] : memref<98304x32xf32, #tpu.memory_space<hbm>> -> memref<128x32xf32, #tpu.memory_space<hbm>>
      %dma_start3A_387 = arith.constant 0 : i32
      %dma_start3A_388 = tpu.memref_slice %arg4[%add3A_279, %dma_start3A_387] : memref<98304x32xf32, #tpu.memory_space<hbm>> -> memref<128x32xf32, #tpu.memory_space<hbm>>
      tpu.enqueue_dma source(%arg6 : memref<128x32xf32, #tpu.memory_space<vmem>>) target(%dma_start3A_388 : memref<128x32xf32, #tpu.memory_space<hbm>>) target_semaphore(%run_scoped3A : memref<!tpu.dma_semaphore, #tpu.memory_space<semaphore_mem>>)
      %dma_wait3A_389 = arith.constant 0 : i32
      %dma_wait3A_390 = tpu.memref_slice %arg4[%add3A_279, %dma_wait3A_389] : memref<98304x32xf32, #tpu.memory_space<hbm>> -> memref<128x32xf32, #tpu.memory_space<hbm>>
      %dma_wait3A_391 = arith.constant 0 : i32
      %dma_wait3A_392 = tpu.memref_slice %arg4[%add3A_279, %dma_wait3A_391] : memref<98304x32xf32, #tpu.memory_space<hbm>> -> memref<128x32xf32, #tpu.memory_space<hbm>>
      tpu.wait_dma2 semaphore(%run_scoped3A : memref<!tpu.dma_semaphore, #tpu.memory_space<semaphore_mem>>) src(%arg6 : memref<128x32xf32, #tpu.memory_space<vmem>>) dst(%dma_wait3A_392 : memref<128x32xf32, #tpu.memory_space<hbm>>)
      tpu.yield
    }) : () -> ()
    %dma_start3A_280 = arith.constant 18 : i32
    %dma_start3A_281 = arith.constant 0 : i32
    %dma_start3A_282 = tpu.memref_slice %arg5[%dma_start3A_280, %dma_start3A_281] : memref<24x128xi32, #tpu.memory_space<vmem>> -> memref<1x128xi32, #tpu.memory_space<vmem>>
    %dma_start3A_283 = tpu.memref_squeeze %dma_start3A_282 : memref<1x128xi32, #tpu.memory_space<vmem>> -> memref<128xi32, #tpu.memory_space<vmem>>
    %dma_start3A_284 = arith.constant 0 : i32
    %dma_start3A_285 = arith.constant 0 : i32
    %dma_start3A_286 = tpu.memref_slice %arg2[%dma_start3A_284, %dma_start3A_285] : memref<2048x32xf32, #tpu.memory_space<hbm>> -> memref<2048x32xf32, #tpu.memory_space<hbm>>
    tpu.enqueue_indirect_dma source(%dma_start3A_286 : memref<2048x32xf32, #tpu.memory_space<hbm>>) target(%arg6 : memref<128x32xf32, #tpu.memory_space<vmem>>) offsets(%dma_start3A_283 : memref<128xi32, #tpu.memory_space<vmem>>) semaphore(%arg8 : memref<!tpu.dma_semaphore, #tpu.memory_space<semaphore_mem>>)
    %dma_wait3A_287 = arith.constant 17 : i32
    %dma_wait3A_288 = arith.constant 0 : i32
    %dma_wait3A_289 = tpu.memref_slice %arg5[%dma_wait3A_287, %dma_wait3A_288] : memref<24x128xi32, #tpu.memory_space<vmem>> -> memref<1x128xi32, #tpu.memory_space<vmem>>
    %dma_wait3A_290 = tpu.memref_squeeze %dma_wait3A_289 : memref<1x128xi32, #tpu.memory_space<vmem>> -> memref<128xi32, #tpu.memory_space<vmem>>
    %dma_wait3A_291 = arith.constant 0 : i32
    %dma_wait3A_292 = arith.constant 0 : i32
    %dma_wait3A_293 = tpu.memref_slice %arg2[%dma_wait3A_291, %dma_wait3A_292] : memref<2048x32xf32, #tpu.memory_space<hbm>> -> memref<2048x32xf32, #tpu.memory_space<hbm>>
    tpu.wait_indirect_dma semaphore(%arg9 : memref<!tpu.dma_semaphore, #tpu.memory_space<semaphore_mem>>) src(%dma_wait3A_293 : memref<2048x32xf32, #tpu.memory_space<hbm>>) dst(%arg7 : memref<128x32xf32, #tpu.memory_space<vmem>>)
    %add3A_294 = arith.constant 2176 : i32
    %add3A_295 = arith.addi %mul3A_2, %add3A_294 : i32
    "tpu.region"() ({
      %run_scoped3A = tpu.sem_alloc : memref<!tpu.dma_semaphore, #tpu.memory_space<semaphore_mem>>
      %dma_start3A_385 = arith.constant 0 : i32
      %dma_start3A_386 = tpu.memref_slice %arg4[%add3A_295, %dma_start3A_385] : memref<98304x32xf32, #tpu.memory_space<hbm>> -> memref<128x32xf32, #tpu.memory_space<hbm>>
      %dma_start3A_387 = arith.constant 0 : i32
      %dma_start3A_388 = tpu.memref_slice %arg4[%add3A_295, %dma_start3A_387] : memref<98304x32xf32, #tpu.memory_space<hbm>> -> memref<128x32xf32, #tpu.memory_space<hbm>>
      tpu.enqueue_dma source(%arg7 : memref<128x32xf32, #tpu.memory_space<vmem>>) target(%dma_start3A_388 : memref<128x32xf32, #tpu.memory_space<hbm>>) target_semaphore(%run_scoped3A : memref<!tpu.dma_semaphore, #tpu.memory_space<semaphore_mem>>)
      %dma_wait3A_389 = arith.constant 0 : i32
      %dma_wait3A_390 = tpu.memref_slice %arg4[%add3A_295, %dma_wait3A_389] : memref<98304x32xf32, #tpu.memory_space<hbm>> -> memref<128x32xf32, #tpu.memory_space<hbm>>
      %dma_wait3A_391 = arith.constant 0 : i32
      %dma_wait3A_392 = tpu.memref_slice %arg4[%add3A_295, %dma_wait3A_391] : memref<98304x32xf32, #tpu.memory_space<hbm>> -> memref<128x32xf32, #tpu.memory_space<hbm>>
      tpu.wait_dma2 semaphore(%run_scoped3A : memref<!tpu.dma_semaphore, #tpu.memory_space<semaphore_mem>>) src(%arg7 : memref<128x32xf32, #tpu.memory_space<vmem>>) dst(%dma_wait3A_392 : memref<128x32xf32, #tpu.memory_space<hbm>>)
      tpu.yield
    }) : () -> ()
    %dma_start3A_296 = arith.constant 19 : i32
    %dma_start3A_297 = arith.constant 0 : i32
    %dma_start3A_298 = tpu.memref_slice %arg5[%dma_start3A_296, %dma_start3A_297] : memref<24x128xi32, #tpu.memory_space<vmem>> -> memref<1x128xi32, #tpu.memory_space<vmem>>
    %dma_start3A_299 = tpu.memref_squeeze %dma_start3A_298 : memref<1x128xi32, #tpu.memory_space<vmem>> -> memref<128xi32, #tpu.memory_space<vmem>>
    %dma_start3A_300 = arith.constant 0 : i32
    %dma_start3A_301 = arith.constant 0 : i32
    %dma_start3A_302 = tpu.memref_slice %arg2[%dma_start3A_300, %dma_start3A_301] : memref<2048x32xf32, #tpu.memory_space<hbm>> -> memref<2048x32xf32, #tpu.memory_space<hbm>>
    tpu.enqueue_indirect_dma source(%dma_start3A_302 : memref<2048x32xf32, #tpu.memory_space<hbm>>) target(%arg7 : memref<128x32xf32, #tpu.memory_space<vmem>>) offsets(%dma_start3A_299 : memref<128xi32, #tpu.memory_space<vmem>>) semaphore(%arg9 : memref<!tpu.dma_semaphore, #tpu.memory_space<semaphore_mem>>)
    %dma_wait3A_303 = arith.constant 18 : i32
    %dma_wait3A_304 = arith.constant 0 : i32
    %dma_wait3A_305 = tpu.memref_slice %arg5[%dma_wait3A_303, %dma_wait3A_304] : memref<24x128xi32, #tpu.memory_space<vmem>> -> memref<1x128xi32, #tpu.memory_space<vmem>>
    %dma_wait3A_306 = tpu.memref_squeeze %dma_wait3A_305 : memref<1x128xi32, #tpu.memory_space<vmem>> -> memref<128xi32, #tpu.memory_space<vmem>>
    %dma_wait3A_307 = arith.constant 0 : i32
    %dma_wait3A_308 = arith.constant 0 : i32
    %dma_wait3A_309 = tpu.memref_slice %arg2[%dma_wait3A_307, %dma_wait3A_308] : memref<2048x32xf32, #tpu.memory_space<hbm>> -> memref<2048x32xf32, #tpu.memory_space<hbm>>
    tpu.wait_indirect_dma semaphore(%arg8 : memref<!tpu.dma_semaphore, #tpu.memory_space<semaphore_mem>>) src(%dma_wait3A_309 : memref<2048x32xf32, #tpu.memory_space<hbm>>) dst(%arg6 : memref<128x32xf32, #tpu.memory_space<vmem>>)
    %add3A_310 = arith.constant 2304 : i32
    %add3A_311 = arith.addi %mul3A_2, %add3A_310 : i32
    "tpu.region"() ({
      %run_scoped3A = tpu.sem_alloc : memref<!tpu.dma_semaphore, #tpu.memory_space<semaphore_mem>>
      %dma_start3A_385 = arith.constant 0 : i32
      %dma_start3A_386 = tpu.memref_slice %arg4[%add3A_311, %dma_start3A_385] : memref<98304x32xf32, #tpu.memory_space<hbm>> -> memref<128x32xf32, #tpu.memory_space<hbm>>
      %dma_start3A_387 = arith.constant 0 : i32
      %dma_start3A_388 = tpu.memref_slice %arg4[%add3A_311, %dma_start3A_387] : memref<98304x32xf32, #tpu.memory_space<hbm>> -> memref<128x32xf32, #tpu.memory_space<hbm>>
      tpu.enqueue_dma source(%arg6 : memref<128x32xf32, #tpu.memory_space<vmem>>) target(%dma_start3A_388 : memref<128x32xf32, #tpu.memory_space<hbm>>) target_semaphore(%run_scoped3A : memref<!tpu.dma_semaphore, #tpu.memory_space<semaphore_mem>>)
      %dma_wait3A_389 = arith.constant 0 : i32
      %dma_wait3A_390 = tpu.memref_slice %arg4[%add3A_311, %dma_wait3A_389] : memref<98304x32xf32, #tpu.memory_space<hbm>> -> memref<128x32xf32, #tpu.memory_space<hbm>>
      %dma_wait3A_391 = arith.constant 0 : i32
      %dma_wait3A_392 = tpu.memref_slice %arg4[%add3A_311, %dma_wait3A_391] : memref<98304x32xf32, #tpu.memory_space<hbm>> -> memref<128x32xf32, #tpu.memory_space<hbm>>
      tpu.wait_dma2 semaphore(%run_scoped3A : memref<!tpu.dma_semaphore, #tpu.memory_space<semaphore_mem>>) src(%arg6 : memref<128x32xf32, #tpu.memory_space<vmem>>) dst(%dma_wait3A_392 : memref<128x32xf32, #tpu.memory_space<hbm>>)
      tpu.yield
    }) : () -> ()
    %dma_start3A_312 = arith.constant 20 : i32
    %dma_start3A_313 = arith.constant 0 : i32
    %dma_start3A_314 = tpu.memref_slice %arg5[%dma_start3A_312, %dma_start3A_313] : memref<24x128xi32, #tpu.memory_space<vmem>> -> memref<1x128xi32, #tpu.memory_space<vmem>>
    %dma_start3A_315 = tpu.memref_squeeze %dma_start3A_314 : memref<1x128xi32, #tpu.memory_space<vmem>> -> memref<128xi32, #tpu.memory_space<vmem>>
    %dma_start3A_316 = arith.constant 0 : i32
    %dma_start3A_317 = arith.constant 0 : i32
    %dma_start3A_318 = tpu.memref_slice %arg2[%dma_start3A_316, %dma_start3A_317] : memref<2048x32xf32, #tpu.memory_space<hbm>> -> memref<2048x32xf32, #tpu.memory_space<hbm>>
    tpu.enqueue_indirect_dma source(%dma_start3A_318 : memref<2048x32xf32, #tpu.memory_space<hbm>>) target(%arg6 : memref<128x32xf32, #tpu.memory_space<vmem>>) offsets(%dma_start3A_315 : memref<128xi32, #tpu.memory_space<vmem>>) semaphore(%arg8 : memref<!tpu.dma_semaphore, #tpu.memory_space<semaphore_mem>>)
    %dma_wait3A_319 = arith.constant 19 : i32
    %dma_wait3A_320 = arith.constant 0 : i32
    %dma_wait3A_321 = tpu.memref_slice %arg5[%dma_wait3A_319, %dma_wait3A_320] : memref<24x128xi32, #tpu.memory_space<vmem>> -> memref<1x128xi32, #tpu.memory_space<vmem>>
    %dma_wait3A_322 = tpu.memref_squeeze %dma_wait3A_321 : memref<1x128xi32, #tpu.memory_space<vmem>> -> memref<128xi32, #tpu.memory_space<vmem>>
    %dma_wait3A_323 = arith.constant 0 : i32
    %dma_wait3A_324 = arith.constant 0 : i32
    %dma_wait3A_325 = tpu.memref_slice %arg2[%dma_wait3A_323, %dma_wait3A_324] : memref<2048x32xf32, #tpu.memory_space<hbm>> -> memref<2048x32xf32, #tpu.memory_space<hbm>>
    tpu.wait_indirect_dma semaphore(%arg9 : memref<!tpu.dma_semaphore, #tpu.memory_space<semaphore_mem>>) src(%dma_wait3A_325 : memref<2048x32xf32, #tpu.memory_space<hbm>>) dst(%arg7 : memref<128x32xf32, #tpu.memory_space<vmem>>)
    %add3A_326 = arith.constant 2432 : i32
    %add3A_327 = arith.addi %mul3A_2, %add3A_326 : i32
    "tpu.region"() ({
      %run_scoped3A = tpu.sem_alloc : memref<!tpu.dma_semaphore, #tpu.memory_space<semaphore_mem>>
      %dma_start3A_385 = arith.constant 0 : i32
      %dma_start3A_386 = tpu.memref_slice %arg4[%add3A_327, %dma_start3A_385] : memref<98304x32xf32, #tpu.memory_space<hbm>> -> memref<128x32xf32, #tpu.memory_space<hbm>>
      %dma_start3A_387 = arith.constant 0 : i32
      %dma_start3A_388 = tpu.memref_slice %arg4[%add3A_327, %dma_start3A_387] : memref<98304x32xf32, #tpu.memory_space<hbm>> -> memref<128x32xf32, #tpu.memory_space<hbm>>
      tpu.enqueue_dma source(%arg7 : memref<128x32xf32, #tpu.memory_space<vmem>>) target(%dma_start3A_388 : memref<128x32xf32, #tpu.memory_space<hbm>>) target_semaphore(%run_scoped3A : memref<!tpu.dma_semaphore, #tpu.memory_space<semaphore_mem>>)
      %dma_wait3A_389 = arith.constant 0 : i32
      %dma_wait3A_390 = tpu.memref_slice %arg4[%add3A_327, %dma_wait3A_389] : memref<98304x32xf32, #tpu.memory_space<hbm>> -> memref<128x32xf32, #tpu.memory_space<hbm>>
      %dma_wait3A_391 = arith.constant 0 : i32
      %dma_wait3A_392 = tpu.memref_slice %arg4[%add3A_327, %dma_wait3A_391] : memref<98304x32xf32, #tpu.memory_space<hbm>> -> memref<128x32xf32, #tpu.memory_space<hbm>>
      tpu.wait_dma2 semaphore(%run_scoped3A : memref<!tpu.dma_semaphore, #tpu.memory_space<semaphore_mem>>) src(%arg7 : memref<128x32xf32, #tpu.memory_space<vmem>>) dst(%dma_wait3A_392 : memref<128x32xf32, #tpu.memory_space<hbm>>)
      tpu.yield
    }) : () -> ()
    %dma_start3A_328 = arith.constant 21 : i32
    %dma_start3A_329 = arith.constant 0 : i32
    %dma_start3A_330 = tpu.memref_slice %arg5[%dma_start3A_328, %dma_start3A_329] : memref<24x128xi32, #tpu.memory_space<vmem>> -> memref<1x128xi32, #tpu.memory_space<vmem>>
    %dma_start3A_331 = tpu.memref_squeeze %dma_start3A_330 : memref<1x128xi32, #tpu.memory_space<vmem>> -> memref<128xi32, #tpu.memory_space<vmem>>
    %dma_start3A_332 = arith.constant 0 : i32
    %dma_start3A_333 = arith.constant 0 : i32
    %dma_start3A_334 = tpu.memref_slice %arg2[%dma_start3A_332, %dma_start3A_333] : memref<2048x32xf32, #tpu.memory_space<hbm>> -> memref<2048x32xf32, #tpu.memory_space<hbm>>
    tpu.enqueue_indirect_dma source(%dma_start3A_334 : memref<2048x32xf32, #tpu.memory_space<hbm>>) target(%arg7 : memref<128x32xf32, #tpu.memory_space<vmem>>) offsets(%dma_start3A_331 : memref<128xi32, #tpu.memory_space<vmem>>) semaphore(%arg9 : memref<!tpu.dma_semaphore, #tpu.memory_space<semaphore_mem>>)
    %dma_wait3A_335 = arith.constant 20 : i32
    %dma_wait3A_336 = arith.constant 0 : i32
    %dma_wait3A_337 = tpu.memref_slice %arg5[%dma_wait3A_335, %dma_wait3A_336] : memref<24x128xi32, #tpu.memory_space<vmem>> -> memref<1x128xi32, #tpu.memory_space<vmem>>
    %dma_wait3A_338 = tpu.memref_squeeze %dma_wait3A_337 : memref<1x128xi32, #tpu.memory_space<vmem>> -> memref<128xi32, #tpu.memory_space<vmem>>
    %dma_wait3A_339 = arith.constant 0 : i32
    %dma_wait3A_340 = arith.constant 0 : i32
    %dma_wait3A_341 = tpu.memref_slice %arg2[%dma_wait3A_339, %dma_wait3A_340] : memref<2048x32xf32, #tpu.memory_space<hbm>> -> memref<2048x32xf32, #tpu.memory_space<hbm>>
    tpu.wait_indirect_dma semaphore(%arg8 : memref<!tpu.dma_semaphore, #tpu.memory_space<semaphore_mem>>) src(%dma_wait3A_341 : memref<2048x32xf32, #tpu.memory_space<hbm>>) dst(%arg6 : memref<128x32xf32, #tpu.memory_space<vmem>>)
    %add3A_342 = arith.constant 2560 : i32
    %add3A_343 = arith.addi %mul3A_2, %add3A_342 : i32
    "tpu.region"() ({
      %run_scoped3A = tpu.sem_alloc : memref<!tpu.dma_semaphore, #tpu.memory_space<semaphore_mem>>
      %dma_start3A_385 = arith.constant 0 : i32
      %dma_start3A_386 = tpu.memref_slice %arg4[%add3A_343, %dma_start3A_385] : memref<98304x32xf32, #tpu.memory_space<hbm>> -> memref<128x32xf32, #tpu.memory_space<hbm>>
      %dma_start3A_387 = arith.constant 0 : i32
      %dma_start3A_388 = tpu.memref_slice %arg4[%add3A_343, %dma_start3A_387] : memref<98304x32xf32, #tpu.memory_space<hbm>> -> memref<128x32xf32, #tpu.memory_space<hbm>>
      tpu.enqueue_dma source(%arg6 : memref<128x32xf32, #tpu.memory_space<vmem>>) target(%dma_start3A_388 : memref<128x32xf32, #tpu.memory_space<hbm>>) target_semaphore(%run_scoped3A : memref<!tpu.dma_semaphore, #tpu.memory_space<semaphore_mem>>)
      %dma_wait3A_389 = arith.constant 0 : i32
      %dma_wait3A_390 = tpu.memref_slice %arg4[%add3A_343, %dma_wait3A_389] : memref<98304x32xf32, #tpu.memory_space<hbm>> -> memref<128x32xf32, #tpu.memory_space<hbm>>
      %dma_wait3A_391 = arith.constant 0 : i32
      %dma_wait3A_392 = tpu.memref_slice %arg4[%add3A_343, %dma_wait3A_391] : memref<98304x32xf32, #tpu.memory_space<hbm>> -> memref<128x32xf32, #tpu.memory_space<hbm>>
      tpu.wait_dma2 semaphore(%run_scoped3A : memref<!tpu.dma_semaphore, #tpu.memory_space<semaphore_mem>>) src(%arg6 : memref<128x32xf32, #tpu.memory_space<vmem>>) dst(%dma_wait3A_392 : memref<128x32xf32, #tpu.memory_space<hbm>>)
      tpu.yield
    }) : () -> ()
    %dma_start3A_344 = arith.constant 22 : i32
    %dma_start3A_345 = arith.constant 0 : i32
    %dma_start3A_346 = tpu.memref_slice %arg5[%dma_start3A_344, %dma_start3A_345] : memref<24x128xi32, #tpu.memory_space<vmem>> -> memref<1x128xi32, #tpu.memory_space<vmem>>
    %dma_start3A_347 = tpu.memref_squeeze %dma_start3A_346 : memref<1x128xi32, #tpu.memory_space<vmem>> -> memref<128xi32, #tpu.memory_space<vmem>>
    %dma_start3A_348 = arith.constant 0 : i32
    %dma_start3A_349 = arith.constant 0 : i32
    %dma_start3A_350 = tpu.memref_slice %arg2[%dma_start3A_348, %dma_start3A_349] : memref<2048x32xf32, #tpu.memory_space<hbm>> -> memref<2048x32xf32, #tpu.memory_space<hbm>>
    tpu.enqueue_indirect_dma source(%dma_start3A_350 : memref<2048x32xf32, #tpu.memory_space<hbm>>) target(%arg6 : memref<128x32xf32, #tpu.memory_space<vmem>>) offsets(%dma_start3A_347 : memref<128xi32, #tpu.memory_space<vmem>>) semaphore(%arg8 : memref<!tpu.dma_semaphore, #tpu.memory_space<semaphore_mem>>)
    %dma_wait3A_351 = arith.constant 21 : i32
    %dma_wait3A_352 = arith.constant 0 : i32
    %dma_wait3A_353 = tpu.memref_slice %arg5[%dma_wait3A_351, %dma_wait3A_352] : memref<24x128xi32, #tpu.memory_space<vmem>> -> memref<1x128xi32, #tpu.memory_space<vmem>>
    %dma_wait3A_354 = tpu.memref_squeeze %dma_wait3A_353 : memref<1x128xi32, #tpu.memory_space<vmem>> -> memref<128xi32, #tpu.memory_space<vmem>>
    %dma_wait3A_355 = arith.constant 0 : i32
    %dma_wait3A_356 = arith.constant 0 : i32
    %dma_wait3A_357 = tpu.memref_slice %arg2[%dma_wait3A_355, %dma_wait3A_356] : memref<2048x32xf32, #tpu.memory_space<hbm>> -> memref<2048x32xf32, #tpu.memory_space<hbm>>
    tpu.wait_indirect_dma semaphore(%arg9 : memref<!tpu.dma_semaphore, #tpu.memory_space<semaphore_mem>>) src(%dma_wait3A_357 : memref<2048x32xf32, #tpu.memory_space<hbm>>) dst(%arg7 : memref<128x32xf32, #tpu.memory_space<vmem>>)
    %add3A_358 = arith.constant 2688 : i32
    %add3A_359 = arith.addi %mul3A_2, %add3A_358 : i32
    "tpu.region"() ({
      %run_scoped3A = tpu.sem_alloc : memref<!tpu.dma_semaphore, #tpu.memory_space<semaphore_mem>>
      %dma_start3A_385 = arith.constant 0 : i32
      %dma_start3A_386 = tpu.memref_slice %arg4[%add3A_359, %dma_start3A_385] : memref<98304x32xf32, #tpu.memory_space<hbm>> -> memref<128x32xf32, #tpu.memory_space<hbm>>
      %dma_start3A_387 = arith.constant 0 : i32
      %dma_start3A_388 = tpu.memref_slice %arg4[%add3A_359, %dma_start3A_387] : memref<98304x32xf32, #tpu.memory_space<hbm>> -> memref<128x32xf32, #tpu.memory_space<hbm>>
      tpu.enqueue_dma source(%arg7 : memref<128x32xf32, #tpu.memory_space<vmem>>) target(%dma_start3A_388 : memref<128x32xf32, #tpu.memory_space<hbm>>) target_semaphore(%run_scoped3A : memref<!tpu.dma_semaphore, #tpu.memory_space<semaphore_mem>>)
      %dma_wait3A_389 = arith.constant 0 : i32
      %dma_wait3A_390 = tpu.memref_slice %arg4[%add3A_359, %dma_wait3A_389] : memref<98304x32xf32, #tpu.memory_space<hbm>> -> memref<128x32xf32, #tpu.memory_space<hbm>>
      %dma_wait3A_391 = arith.constant 0 : i32
      %dma_wait3A_392 = tpu.memref_slice %arg4[%add3A_359, %dma_wait3A_391] : memref<98304x32xf32, #tpu.memory_space<hbm>> -> memref<128x32xf32, #tpu.memory_space<hbm>>
      tpu.wait_dma2 semaphore(%run_scoped3A : memref<!tpu.dma_semaphore, #tpu.memory_space<semaphore_mem>>) src(%arg7 : memref<128x32xf32, #tpu.memory_space<vmem>>) dst(%dma_wait3A_392 : memref<128x32xf32, #tpu.memory_space<hbm>>)
      tpu.yield
    }) : () -> ()
    %dma_start3A_360 = arith.constant 23 : i32
    %dma_start3A_361 = arith.constant 0 : i32
    %dma_start3A_362 = tpu.memref_slice %arg5[%dma_start3A_360, %dma_start3A_361] : memref<24x128xi32, #tpu.memory_space<vmem>> -> memref<1x128xi32, #tpu.memory_space<vmem>>
    %dma_start3A_363 = tpu.memref_squeeze %dma_start3A_362 : memref<1x128xi32, #tpu.memory_space<vmem>> -> memref<128xi32, #tpu.memory_space<vmem>>
    %dma_start3A_364 = arith.constant 0 : i32
    %dma_start3A_365 = arith.constant 0 : i32
    %dma_start3A_366 = tpu.memref_slice %arg2[%dma_start3A_364, %dma_start3A_365] : memref<2048x32xf32, #tpu.memory_space<hbm>> -> memref<2048x32xf32, #tpu.memory_space<hbm>>
    tpu.enqueue_indirect_dma source(%dma_start3A_366 : memref<2048x32xf32, #tpu.memory_space<hbm>>) target(%arg7 : memref<128x32xf32, #tpu.memory_space<vmem>>) offsets(%dma_start3A_363 : memref<128xi32, #tpu.memory_space<vmem>>) semaphore(%arg9 : memref<!tpu.dma_semaphore, #tpu.memory_space<semaphore_mem>>)
    %dma_wait3A_367 = arith.constant 22 : i32
    %dma_wait3A_368 = arith.constant 0 : i32
    %dma_wait3A_369 = tpu.memref_slice %arg5[%dma_wait3A_367, %dma_wait3A_368] : memref<24x128xi32, #tpu.memory_space<vmem>> -> memref<1x128xi32, #tpu.memory_space<vmem>>
    %dma_wait3A_370 = tpu.memref_squeeze %dma_wait3A_369 : memref<1x128xi32, #tpu.memory_space<vmem>> -> memref<128xi32, #tpu.memory_space<vmem>>
    %dma_wait3A_371 = arith.constant 0 : i32
    %dma_wait3A_372 = arith.constant 0 : i32
    %dma_wait3A_373 = tpu.memref_slice %arg2[%dma_wait3A_371, %dma_wait3A_372] : memref<2048x32xf32, #tpu.memory_space<hbm>> -> memref<2048x32xf32, #tpu.memory_space<hbm>>
    tpu.wait_indirect_dma semaphore(%arg8 : memref<!tpu.dma_semaphore, #tpu.memory_space<semaphore_mem>>) src(%dma_wait3A_373 : memref<2048x32xf32, #tpu.memory_space<hbm>>) dst(%arg6 : memref<128x32xf32, #tpu.memory_space<vmem>>)
    %add3A_374 = arith.constant 2816 : i32
    %add3A_375 = arith.addi %mul3A_2, %add3A_374 : i32
    "tpu.region"() ({
      %run_scoped3A = tpu.sem_alloc : memref<!tpu.dma_semaphore, #tpu.memory_space<semaphore_mem>>
      %dma_start3A_385 = arith.constant 0 : i32
      %dma_start3A_386 = tpu.memref_slice %arg4[%add3A_375, %dma_start3A_385] : memref<98304x32xf32, #tpu.memory_space<hbm>> -> memref<128x32xf32, #tpu.memory_space<hbm>>
      %dma_start3A_387 = arith.constant 0 : i32
      %dma_start3A_388 = tpu.memref_slice %arg4[%add3A_375, %dma_start3A_387] : memref<98304x32xf32, #tpu.memory_space<hbm>> -> memref<128x32xf32, #tpu.memory_space<hbm>>
      tpu.enqueue_dma source(%arg6 : memref<128x32xf32, #tpu.memory_space<vmem>>) target(%dma_start3A_388 : memref<128x32xf32, #tpu.memory_space<hbm>>) target_semaphore(%run_scoped3A : memref<!tpu.dma_semaphore, #tpu.memory_space<semaphore_mem>>)
      %dma_wait3A_389 = arith.constant 0 : i32
      %dma_wait3A_390 = tpu.memref_slice %arg4[%add3A_375, %dma_wait3A_389] : memref<98304x32xf32, #tpu.memory_space<hbm>> -> memref<128x32xf32, #tpu.memory_space<hbm>>
      %dma_wait3A_391 = arith.constant 0 : i32
      %dma_wait3A_392 = tpu.memref_slice %arg4[%add3A_375, %dma_wait3A_391] : memref<98304x32xf32, #tpu.memory_space<hbm>> -> memref<128x32xf32, #tpu.memory_space<hbm>>
      tpu.wait_dma2 semaphore(%run_scoped3A : memref<!tpu.dma_semaphore, #tpu.memory_space<semaphore_mem>>) src(%arg6 : memref<128x32xf32, #tpu.memory_space<vmem>>) dst(%dma_wait3A_392 : memref<128x32xf32, #tpu.memory_space<hbm>>)
      tpu.yield
    }) : () -> ()
    %dma_wait3A_376 = arith.constant 23 : i32
    %dma_wait3A_377 = arith.constant 0 : i32
    %dma_wait3A_378 = tpu.memref_slice %arg5[%dma_wait3A_376, %dma_wait3A_377] : memref<24x128xi32, #tpu.memory_space<vmem>> -> memref<1x128xi32, #tpu.memory_space<vmem>>
    %dma_wait3A_379 = tpu.memref_squeeze %dma_wait3A_378 : memref<1x128xi32, #tpu.memory_space<vmem>> -> memref<128xi32, #tpu.memory_space<vmem>>
    %dma_wait3A_380 = arith.constant 0 : i32
    %dma_wait3A_381 = arith.constant 0 : i32
    %dma_wait3A_382 = tpu.memref_slice %arg2[%dma_wait3A_380, %dma_wait3A_381] : memref<2048x32xf32, #tpu.memory_space<hbm>> -> memref<2048x32xf32, #tpu.memory_space<hbm>>
    tpu.wait_indirect_dma semaphore(%arg9 : memref<!tpu.dma_semaphore, #tpu.memory_space<semaphore_mem>>) src(%dma_wait3A_382 : memref<2048x32xf32, #tpu.memory_space<hbm>>) dst(%arg7 : memref<128x32xf32, #tpu.memory_space<vmem>>)
    %add3A_383 = arith.constant 2944 : i32
    %add3A_384 = arith.addi %mul3A_2, %add3A_383 : i32
    "tpu.region"() ({
      %run_scoped3A = tpu.sem_alloc : memref<!tpu.dma_semaphore, #tpu.memory_space<semaphore_mem>>
      %dma_start3A_385 = arith.constant 0 : i32
      %dma_start3A_386 = tpu.memref_slice %arg4[%add3A_384, %dma_start3A_385] : memref<98304x32xf32, #tpu.memory_space<hbm>> -> memref<128x32xf32, #tpu.memory_space<hbm>>
      %dma_start3A_387 = arith.constant 0 : i32
      %dma_start3A_388 = tpu.memref_slice %arg4[%add3A_384, %dma_start3A_387] : memref<98304x32xf32, #tpu.memory_space<hbm>> -> memref<128x32xf32, #tpu.memory_space<hbm>>
      tpu.enqueue_dma source(%arg7 : memref<128x32xf32, #tpu.memory_space<vmem>>) target(%dma_start3A_388 : memref<128x32xf32, #tpu.memory_space<hbm>>) target_semaphore(%run_scoped3A : memref<!tpu.dma_semaphore, #tpu.memory_space<semaphore_mem>>)
      %dma_wait3A_389 = arith.constant 0 : i32
      %dma_wait3A_390 = tpu.memref_slice %arg4[%add3A_384, %dma_wait3A_389] : memref<98304x32xf32, #tpu.memory_space<hbm>> -> memref<128x32xf32, #tpu.memory_space<hbm>>
      %dma_wait3A_391 = arith.constant 0 : i32
      %dma_wait3A_392 = tpu.memref_slice %arg4[%add3A_384, %dma_wait3A_391] : memref<98304x32xf32, #tpu.memory_space<hbm>> -> memref<128x32xf32, #tpu.memory_space<hbm>>
      tpu.wait_dma2 semaphore(%run_scoped3A : memref<!tpu.dma_semaphore, #tpu.memory_space<semaphore_mem>>) src(%arg7 : memref<128x32xf32, #tpu.memory_space<vmem>>) dst(%dma_wait3A_392 : memref<128x32xf32, #tpu.memory_space<hbm>>)
      tpu.yield
    }) : () -> ()
    return
  }
}

module attributes {stable_mosaic.version = 14 : i64} {
  func.func @_table_kernel(%arg0: memref<2048x12xf32, #tpu.memory_space<vmem>>, %arg1: memref<2048x9xf32, #tpu.memory_space<vmem>>, %arg2: memref<2048x3xf32, #tpu.memory_space<vmem>>, %arg3: memref<2048x32xf32, #tpu.memory_space<vmem>>) attributes {dimension_semantics = [], scalar_prefetch = 0 : i64, scratch_operands = 0 : i64, tpu.core_type = #tpu.core_type<tc>} {
    %get3A = arith.constant 0 : index
    %get3A_0 = arith.constant 0 : index
    %get3A_1 = vector.load %arg0[%get3A, %get3A_0] : memref<2048x12xf32, #tpu.memory_space<vmem>>, vector<2048x12xf32>
    %get3A_2 = arith.constant 0 : index
    %get3A_3 = arith.constant 0 : index
    %get3A_4 = vector.load %arg1[%get3A_2, %get3A_3] : memref<2048x9xf32, #tpu.memory_space<vmem>>, vector<2048x9xf32>
    %get3A_5 = arith.constant 0 : index
    %get3A_6 = arith.constant 0 : index
    %get3A_7 = vector.load %arg2[%get3A_5, %get3A_6] : memref<2048x3xf32, #tpu.memory_space<vmem>>, vector<2048x3xf32>
    %slice3A = vector.extract_strided_slice %get3A_1 {offsets = [0, 0], sizes = [2048, 3], strides = [1, 1]} : vector<2048x12xf32> to vector<2048x3xf32>
    %slice3A_8 = vector.extract_strided_slice %get3A_1 {offsets = [0, 3], sizes = [2048, 3], strides = [1, 1]} : vector<2048x12xf32> to vector<2048x3xf32>
    %slice3A_9 = vector.extract_strided_slice %get3A_1 {offsets = [0, 6], sizes = [2048, 3], strides = [1, 1]} : vector<2048x12xf32> to vector<2048x3xf32>
    %slice3A_10 = vector.extract_strided_slice %get3A_1 {offsets = [0, 9], sizes = [2048, 3], strides = [1, 1]} : vector<2048x12xf32> to vector<2048x3xf32>
    %sub3A = arith.subf %slice3A_8, %slice3A : vector<2048x3xf32>
    %sub3A_11 = arith.subf %slice3A_9, %slice3A_8 : vector<2048x3xf32>
    %slice3A_12 = vector.extract_strided_slice %sub3A {offsets = [0, 1], sizes = [2048, 1], strides = [1, 1]} : vector<2048x3xf32> to vector<2048x1xf32>
    %slice3A_13 = vector.extract_strided_slice %sub3A_11 {offsets = [0, 2], sizes = [2048, 1], strides = [1, 1]} : vector<2048x3xf32> to vector<2048x1xf32>
    %mul3A = arith.mulf %slice3A_12, %slice3A_13 : vector<2048x1xf32>
    %slice3A_14 = vector.extract_strided_slice %sub3A {offsets = [0, 2], sizes = [2048, 1], strides = [1, 1]} : vector<2048x3xf32> to vector<2048x1xf32>
    %slice3A_15 = vector.extract_strided_slice %sub3A_11 {offsets = [0, 1], sizes = [2048, 1], strides = [1, 1]} : vector<2048x3xf32> to vector<2048x1xf32>
    %mul3A_16 = arith.mulf %slice3A_14, %slice3A_15 : vector<2048x1xf32>
    %sub3A_17 = arith.subf %mul3A, %mul3A_16 : vector<2048x1xf32>
    %slice3A_18 = vector.extract_strided_slice %sub3A {offsets = [0, 2], sizes = [2048, 1], strides = [1, 1]} : vector<2048x3xf32> to vector<2048x1xf32>
    %slice3A_19 = vector.extract_strided_slice %sub3A_11 {offsets = [0, 0], sizes = [2048, 1], strides = [1, 1]} : vector<2048x3xf32> to vector<2048x1xf32>
    %mul3A_20 = arith.mulf %slice3A_18, %slice3A_19 : vector<2048x1xf32>
    %slice3A_21 = vector.extract_strided_slice %sub3A {offsets = [0, 0], sizes = [2048, 1], strides = [1, 1]} : vector<2048x3xf32> to vector<2048x1xf32>
    %slice3A_22 = vector.extract_strided_slice %sub3A_11 {offsets = [0, 2], sizes = [2048, 1], strides = [1, 1]} : vector<2048x3xf32> to vector<2048x1xf32>
    %mul3A_23 = arith.mulf %slice3A_21, %slice3A_22 : vector<2048x1xf32>
    %sub3A_24 = arith.subf %mul3A_20, %mul3A_23 : vector<2048x1xf32>
    %slice3A_25 = vector.extract_strided_slice %sub3A {offsets = [0, 0], sizes = [2048, 1], strides = [1, 1]} : vector<2048x3xf32> to vector<2048x1xf32>
    %slice3A_26 = vector.extract_strided_slice %sub3A_11 {offsets = [0, 1], sizes = [2048, 1], strides = [1, 1]} : vector<2048x3xf32> to vector<2048x1xf32>
    %mul3A_27 = arith.mulf %slice3A_25, %slice3A_26 : vector<2048x1xf32>
    %slice3A_28 = vector.extract_strided_slice %sub3A {offsets = [0, 1], sizes = [2048, 1], strides = [1, 1]} : vector<2048x3xf32> to vector<2048x1xf32>
    %slice3A_29 = vector.extract_strided_slice %sub3A_11 {offsets = [0, 0], sizes = [2048, 1], strides = [1, 1]} : vector<2048x3xf32> to vector<2048x1xf32>
    %mul3A_30 = arith.mulf %slice3A_28, %slice3A_29 : vector<2048x1xf32>
    %sub3A_31 = arith.subf %mul3A_27, %mul3A_30 : vector<2048x1xf32>
    %concatenate3A = tpu.concatenate %sub3A_17, %sub3A_24, %sub3A_31 in 1 : vector<2048x1xf32>, vector<2048x1xf32>, vector<2048x1xf32> -> vector<2048x3xf32>
    %mul3A_32 = arith.constant -0.582734287 : f32
    %mul3A_33 = vector.broadcast %mul3A_32 : f32 to vector<2048x3xf32>
    %mul3A_34 = arith.mulf %mul3A_33, %concatenate3A : vector<2048x3xf32>
    %mul3A_35 = arith.constant 0.568028271 : f32
    %mul3A_36 = vector.broadcast %mul3A_35 : f32 to vector<2048x3xf32>
    %mul3A_37 = arith.mulf %mul3A_36, %sub3A : vector<2048x3xf32>
    %add3A = arith.addf %mul3A_34, %mul3A_37 : vector<2048x3xf32>
    %mul3A_38 = arith.constant 0.540674686 : f32
    %mul3A_39 = vector.broadcast %mul3A_38 : f32 to vector<2048x3xf32>
    %mul3A_40 = arith.mulf %mul3A_39, %sub3A_11 : vector<2048x3xf32>
    %sub3A_41 = arith.subf %add3A, %mul3A_40 : vector<2048x3xf32>
    %add3A_42 = arith.addf %sub3A_41, %slice3A_8 : vector<2048x3xf32>
    %iota3A = tpu.iota {dimensions = array<i32: 0>} : vector<2048x1xi32>
    %jit3A = arith.constant 512 : i32
    %eq3A = arith.constant 0 : i32
    %eq3A_43 = arith.cmpi eq, %jit3A, %eq3A : i32
    %jit3A_44 = arith.constant 1 : i32
    %select_n3A = arith.select %eq3A_43, %jit3A_44, %jit3A : i32
    %rem3A = vector.broadcast %select_n3A : i32 to vector<2048x1xi32>
    %rem3A_45 = arith.remsi %iota3A, %rem3A : vector<2048x1xi32>
    %ne3A = arith.constant 0 : i32
    %ne3A_46 = vector.broadcast %ne3A : i32 to vector<2048x1xi32>
    %ne3A_47 = arith.cmpi ne, %rem3A_45, %ne3A_46 : vector<2048x1xi32>
    %lt3A = arith.constant 0 : i32
    %lt3A_48 = vector.broadcast %lt3A : i32 to vector<2048x1xi32>
    %lt3A_49 = arith.cmpi slt, %rem3A_45, %lt3A_48 : vector<2048x1xi32>
    %lt3A_50 = arith.constant 0 : i32
    %lt3A_51 = arith.cmpi slt, %select_n3A, %lt3A_50 : i32
    %ne3A_52 = vector.broadcast %lt3A_51 : i1 to vector<2048x1xi1>
    %ne3A_53 = vector.broadcast %ne3A_52 : vector<2048x1xi1> to vector<2048x1xi1>
    %ne3A_54 = arith.xori %lt3A_49, %ne3A_53 : vector<2048x1xi1>
    %and3A = arith.andi %ne3A_54, %ne3A_47 : vector<2048x1xi1>
    %add3A_55 = vector.broadcast %select_n3A : i32 to vector<2048x1xi32>
    %add3A_56 = arith.addi %rem3A_45, %add3A_55 : vector<2048x1xi32>
    %select_n3A_57 = arith.select %and3A, %add3A_56, %rem3A_45 : vector<2048x1xi1>, vector<2048x1xi32>
    %convert_element_type3A = arith.sitofp %select_n3A_57 : vector<2048x1xi32> to vector<2048x1xf32>
    %broadcast_in_dim3A = arith.constant 1.000000e+00 : f32
    %broadcast_in_dim3A_58 = vector.broadcast %broadcast_in_dim3A : f32 to vector<2048x1xf32>
    %broadcast_in_dim3A_59 = arith.constant 0.000000e+00 : f32
    %broadcast_in_dim3A_60 = vector.broadcast %broadcast_in_dim3A_59 : f32 to vector<2048x3xf32>
    %concatenate3A_61 = tpu.concatenate %slice3A, %slice3A_8, %slice3A_9, %slice3A_10, %add3A_42, %get3A_4, %get3A_7, %convert_element_type3A, %broadcast_in_dim3A_58, %broadcast_in_dim3A_60 in 1 : vector<2048x3xf32>, vector<2048x3xf32>, vector<2048x3xf32>, vector<2048x3xf32>, vector<2048x3xf32>, vector<2048x9xf32>, vector<2048x3xf32>, vector<2048x1xf32>, vector<2048x1xf32>, vector<2048x3xf32> -> vector<2048x32xf32>
    %swap3A = arith.constant 0 : index
    %swap3A_62 = arith.constant 0 : index
    %swap3A_63 = vector.load %arg3[%swap3A, %swap3A_62] : memref<2048x32xf32, #tpu.memory_space<vmem>>, vector<2048x32xf32>
    tpu.vector_store %arg3[%swap3A, %swap3A_62], %concatenate3A_61 {strides = array<i32>} : memref<2048x32xf32, #tpu.memory_space<vmem>>, vector<2048x32xf32>,
    return
  }
}

module attributes {stable_mosaic.version = 14 : i64} {
  func.func @_edge_body(%arg0: i32, %arg1: memref<3072x32xf32, #tpu.memory_space<vmem>>, %arg2: memref<64x32xf32, #tpu.memory_space<vmem>>, %arg3: memref<32x256xbf16, #tpu.memory_space<vmem>>, %arg4: memref<64x256xbf16, #tpu.memory_space<vmem>>, %arg5: memref<512x128xbf16, #tpu.memory_space<vmem>>, %arg6: memref<256x512xbf16, #tpu.memory_space<vmem>>, %arg7: memref<512x128xbf16, #tpu.memory_space<vmem>>, %arg8: memref<128x128xbf16, #tpu.memory_space<vmem>>, %arg9: memref<1x128xf32, #tpu.memory_space<vmem>>, %arg10: memref<1x128xf32, #tpu.memory_space<vmem>>, %arg11: memref<1x128xf32, #tpu.memory_space<vmem>>, %arg12: memref<3072x128xf32, #tpu.memory_space<vmem>>) attributes {dimension_semantics = [#tpu.dimension_semantics<parallel>], iteration_bounds = array<i64: 32>, scalar_prefetch = 0 : i64, scratch_operands = 0 : i64, tpu.core_type = #tpu.core_type<tc>, window_params = [{transform_indices = @transform_0, window_bounds = array<i64: 3072, 32>}, {transform_indices = @transform_1, window_bounds = array<i64: 64, 32>}, {pipeline_mode = #tpu.pipeline_mode<synchronous>, transform_indices = @transform_2, window_bounds = array<i64: 32, 256>}, {pipeline_mode = #tpu.pipeline_mode<synchronous>, transform_indices = @transform_3, window_bounds = array<i64: 64, 256>}, {pipeline_mode = #tpu.pipeline_mode<synchronous>, transform_indices = @transform_4, window_bounds = array<i64: 512, 128>}, {pipeline_mode = #tpu.pipeline_mode<synchronous>, transform_indices = @transform_5, window_bounds = array<i64: 256, 512>}, {pipeline_mode = #tpu.pipeline_mode<synchronous>, transform_indices = @transform_6, window_bounds = array<i64: 512, 128>}, {pipeline_mode = #tpu.pipeline_mode<synchronous>, transform_indices = @transform_7, window_bounds = array<i64: 128, 128>}, {pipeline_mode = #tpu.pipeline_mode<synchronous>, transform_indices = @transform_8, window_bounds = array<i64: 1, 128>}, {pipeline_mode = #tpu.pipeline_mode<synchronous>, transform_indices = @transform_9, window_bounds = array<i64: 1, 128>}, {pipeline_mode = #tpu.pipeline_mode<synchronous>, transform_indices = @transform_10, window_bounds = array<i64: 1, 128>}, {transform_indices = @transform_11, window_bounds = array<i64: 3072, 128>}]} {
    %get3A = arith.constant 0 : index
    %get3A_0 = arith.constant 0 : index
    %get3A_1 = vector.load %arg1[%get3A, %get3A_0] : memref<3072x32xf32, #tpu.memory_space<vmem>>, vector<3072x32xf32>
    %get3A_2 = arith.constant 0 : index
    %get3A_3 = arith.constant 0 : index
    %get3A_4 = vector.load %arg2[%get3A_2, %get3A_3] : memref<64x32xf32, #tpu.memory_space<vmem>>, vector<64x32xf32>
    %iota3A = tpu.iota {dimensions = array<i32: 0>} : vector<3072x128xi32>
    %jit3A = arith.constant 48 : i32
    %div3A = vector.broadcast %jit3A : i32 to vector<3072x128xi32>
    %div3A_5 = arith.divsi %iota3A, %div3A : vector<3072x128xi32>
    %sign3A = arith.constant 0 : i32
    %sign3A_6 = vector.broadcast %sign3A : i32 to vector<3072x128xi32>
    %sign3A_7 = arith.cmpi sgt, %iota3A, %sign3A_6 : vector<3072x128xi32>
    %sign3A_8 = arith.extui %sign3A_7 : vector<3072x128xi1> to vector<3072x128xi32>
    %sign3A_9 = arith.constant 0 : i32
    %sign3A_10 = vector.broadcast %sign3A_9 : i32 to vector<3072x128xi32>
    %sign3A_11 = arith.cmpi slt, %iota3A, %sign3A_10 : vector<3072x128xi32>
    %sign3A_12 = arith.extui %sign3A_11 : vector<3072x128xi1> to vector<3072x128xi32>
    %sign3A_13 = arith.subi %sign3A_8, %sign3A_12 : vector<3072x128xi32>
    %sign3A_14 = arith.constant 0 : i32
    %sign3A_15 = arith.cmpi sgt, %jit3A, %sign3A_14 : i32
    %sign3A_16 = arith.extui %sign3A_15 : i1 to i32
    %sign3A_17 = arith.constant 0 : i32
    %sign3A_18 = arith.cmpi slt, %jit3A, %sign3A_17 : i32
    %sign3A_19 = arith.extui %sign3A_18 : i1 to i32
    %sign3A_20 = arith.subi %sign3A_16, %sign3A_19 : i32
    %ne3A = vector.broadcast %sign3A_20 : i32 to vector<3072x128xi32>
    %ne3A_21 = arith.cmpi ne, %sign3A_13, %ne3A : vector<3072x128xi32>
    %rem3A = vector.broadcast %jit3A : i32 to vector<3072x128xi32>
    %rem3A_22 = arith.remsi %iota3A, %rem3A : vector<3072x128xi32>
    %ne3A_23 = arith.constant 0 : i32
    %ne3A_24 = vector.broadcast %ne3A_23 : i32 to vector<3072x128xi32>
    %ne3A_25 = arith.cmpi ne, %rem3A_22, %ne3A_24 : vector<3072x128xi32>
    %and3A = arith.andi %ne3A_21, %ne3A_25 : vector<3072x128xi1>
    %sub3A = arith.constant 1 : i32
    %sub3A_26 = vector.broadcast %sub3A : i32 to vector<3072x128xi32>
    %sub3A_27 = arith.subi %div3A_5, %sub3A_26 : vector<3072x128xi32>
    %select_n3A = arith.select %and3A, %sub3A_27, %div3A_5 : vector<3072x128xi1>, vector<3072x128xi32>
    %iota3A_28 = tpu.iota {dimensions = array<i32: 1>} : vector<3072x128xi32>
    %jit3A_29 = arith.constant 64 : i32
    %eq3A = arith.constant 0 : i32
    %eq3A_30 = arith.cmpi eq, %jit3A_29, %eq3A : i32
    %jit3A_31 = arith.constant 1 : i32
    %select_n3A_32 = arith.select %eq3A_30, %jit3A_31, %jit3A_29 : i32
    %rem3A_33 = vector.broadcast %select_n3A_32 : i32 to vector<3072x128xi32>
    %rem3A_34 = arith.remsi %iota3A_28, %rem3A_33 : vector<3072x128xi32>
    %ne3A_35 = arith.constant 0 : i32
    %ne3A_36 = vector.broadcast %ne3A_35 : i32 to vector<3072x128xi32>
    %ne3A_37 = arith.cmpi ne, %rem3A_34, %ne3A_36 : vector<3072x128xi32>
    %lt3A = arith.constant 0 : i32
    %lt3A_38 = vector.broadcast %lt3A : i32 to vector<3072x128xi32>
    %lt3A_39 = arith.cmpi slt, %rem3A_34, %lt3A_38 : vector<3072x128xi32>
    %lt3A_40 = arith.constant 0 : i32
    %lt3A_41 = arith.cmpi slt, %select_n3A_32, %lt3A_40 : i32
    %ne3A_42 = vector.broadcast %lt3A_41 : i1 to vector<3072x128xi1>
    %ne3A_43 = vector.broadcast %ne3A_42 : vector<3072x128xi1> to vector<3072x128xi1>
    %ne3A_44 = arith.xori %lt3A_39, %ne3A_43 : vector<3072x128xi1>
    %and3A_45 = arith.andi %ne3A_44, %ne3A_37 : vector<3072x128xi1>
    %add3A = vector.broadcast %select_n3A_32 : i32 to vector<3072x128xi32>
    %add3A_46 = arith.addi %rem3A_34, %add3A : vector<3072x128xi32>
    %select_n3A_47 = arith.select %and3A_45, %add3A_46, %rem3A_34 : vector<3072x128xi1>, vector<3072x128xi32>
    %eq3A_48 = arith.cmpi eq, %select_n3A_47, %select_n3A : vector<3072x128xi32>
    %lt3A_49 = arith.constant 128 : i32
    %lt3A_50 = vector.broadcast %lt3A_49 : i32 to vector<3072x128xi32>
    %lt3A_51 = arith.cmpi slt, %iota3A_28, %lt3A_50 : vector<3072x128xi32>
    %and3A_52 = arith.andi %eq3A_48, %lt3A_51 : vector<3072x128xi1>
    %convert_element_type3A = arith.extui %and3A_52 : vector<3072x128xi1> to vector<3072x128xi32>
    %convert_element_type3A_53 = arith.sitofp %convert_element_type3A : vector<3072x128xi32> to vector<3072x128xf32>
    %convert_element_type3A_54 = arith.truncf %convert_element_type3A_53 : vector<3072x128xf32> to vector<3072x128xbf16>
    %convert_element_type3A_55 = arith.truncf %get3A_4 : vector<64x32xf32> to vector<64x32xbf16>
    %convert_element_type3A_56 = arith.extf %convert_element_type3A_55 : vector<64x32xbf16> to vector<64x32xf32>
    %sub3A_57 = arith.subf %get3A_4, %convert_element_type3A_56 : vector<64x32xf32>
    %convert_element_type3A_58 = arith.truncf %sub3A_57 : vector<64x32xf32> to vector<64x32xbf16>
    %convert_element_type3A_59 = arith.truncf %get3A_1 : vector<3072x32xf32> to vector<3072x32xbf16>
    %convert_element_type3A_60 = arith.extf %convert_element_type3A_59 : vector<3072x32xbf16> to vector<3072x32xf32>
    %sub3A_61 = arith.subf %get3A_1, %convert_element_type3A_60 : vector<3072x32xf32>
    %convert_element_type3A_62 = arith.truncf %sub3A_61 : vector<3072x32xf32> to vector<3072x32xbf16>
    %get3A_63 = arith.constant 0 : index
    %get3A_64 = arith.constant 0 : index
    %get3A_65 = vector.load %arg3[%get3A_63, %get3A_64] : memref<32x256xbf16, #tpu.memory_space<vmem>>, vector<32x256xbf16>
    %dot_general3A = arith.constant dense<0.000000e+00> : vector<64x256xf32>
    %dot_general3A_66 = tpu.matmul %convert_element_type3A_55, %get3A_65, %dot_general3A {dimension_numbers = #tpu.dot_dimension_numbers<[1], [0], [0], [1], [0, 0, 1, 1], [], []>, transpose_lhs_hint = false} : vector<64x32xbf16>, vector<32x256xbf16>, vector<64x256xf32> -> vector<64x256xf32>
    %dot_general3A_67 = arith.constant dense<0.000000e+00> : vector<64x256xf32>
    %dot_general3A_68 = tpu.matmul %convert_element_type3A_58, %get3A_65, %dot_general3A_67 {dimension_numbers = #tpu.dot_dimension_numbers<[1], [0], [0], [1], [0, 0, 1, 1], [], []>, transpose_lhs_hint = false} : vector<64x32xbf16>, vector<32x256xbf16>, vector<64x256xf32> -> vector<64x256xf32>
    %add3A_69 = arith.addf %dot_general3A_66, %dot_general3A_68 : vector<64x256xf32>
    %convert_element_type3A_70 = arith.truncf %add3A_69 : vector<64x256xf32> to vector<64x256xbf16>
    %convert_element_type3A_71 = arith.extf %convert_element_type3A_70 : vector<64x256xbf16> to vector<64x256xf32>
    %sub3A_72 = arith.subf %add3A_69, %convert_element_type3A_71 : vector<64x256xf32>
    %convert_element_type3A_73 = arith.truncf %sub3A_72 : vector<64x256xf32> to vector<64x256xbf16>
    %concatenate3A = tpu.concatenate %convert_element_type3A_70, %convert_element_type3A_73 in 0 : vector<64x256xbf16>, vector<64x256xbf16> -> vector<128x256xbf16>
    %dot_general3A_74 = arith.constant dense<0.000000e+00> : vector<3072x256xf32>
    %dot_general3A_75 = tpu.matmul %convert_element_type3A_54, %concatenate3A, %dot_general3A_74 {dimension_numbers = #tpu.dot_dimension_numbers<[1], [0], [0], [1], [0, 0, 1, 1], [], []>, transpose_lhs_hint = false} : vector<3072x128xbf16>, vector<128x256xbf16>, vector<3072x256xf32> -> vector<3072x256xf32>
    %slice3A = vector.extract_strided_slice %dot_general3A_75 {offsets = [0, 0], sizes = [3072, 128], strides = [1, 1]} : vector<3072x256xf32> to vector<3072x128xf32>
    %slice3A_76 = vector.extract_strided_slice %dot_general3A_75 {offsets = [0, 128], sizes = [3072, 128], strides = [1, 1]} : vector<3072x256xf32> to vector<3072x128xf32>
    %concatenate3A_77 = tpu.concatenate %convert_element_type3A_59, %convert_element_type3A_62 in 1 : vector<3072x32xbf16>, vector<3072x32xbf16> -> vector<3072x64xbf16>
    %get3A_78 = arith.constant 0 : index
    %get3A_79 = arith.constant 0 : index
    %get3A_80 = vector.load %arg4[%get3A_78, %get3A_79] : memref<64x256xbf16, #tpu.memory_space<vmem>>, vector<64x256xbf16>
    %dot_general3A_81 = arith.constant dense<0.000000e+00> : vector<3072x256xf32>
    %dot_general3A_82 = tpu.matmul %concatenate3A_77, %get3A_80, %dot_general3A_81 {dimension_numbers = #tpu.dot_dimension_numbers<[1], [0], [0], [1], [0, 0, 1, 1], [], []>, transpose_lhs_hint = false} : vector<3072x64xbf16>, vector<64x256xbf16>, vector<3072x256xf32> -> vector<3072x256xf32>
    %slice3A_83 = vector.extract_strided_slice %dot_general3A_82 {offsets = [0, 0], sizes = [3072, 128], strides = [1, 1]} : vector<3072x256xf32> to vector<3072x128xf32>
    %slice3A_84 = vector.extract_strided_slice %dot_general3A_82 {offsets = [0, 128], sizes = [3072, 128], strides = [1, 1]} : vector<3072x256xf32> to vector<3072x128xf32>
    %sub3A_85 = arith.subf %slice3A_83, %slice3A : vector<3072x128xf32>
    %mul3A = arith.mulf %sub3A_85, %sub3A_85 : vector<3072x128xf32>
    %iota3A_86 = tpu.iota {dimensions = array<i32: 1>} : vector<3072x128xi32>
    %mul3A_87 = arith.mulf %slice3A_76, %sub3A_85 : vector<3072x128xf32>
    %convert_element_type3A_88 = arith.truncf %mul3A : vector<3072x128xf32> to vector<3072x128xbf16>
    %convert_element_type3A_89 = arith.extf %convert_element_type3A_88 : vector<3072x128xbf16> to vector<3072x128xf32>
    %sub3A_90 = arith.subf %mul3A, %convert_element_type3A_89 : vector<3072x128xf32>
    %convert_element_type3A_91 = arith.truncf %sub3A_90 : vector<3072x128xf32> to vector<3072x128xbf16>
    %convert_element_type3A_92 = arith.truncf %mul3A_87 : vector<3072x128xf32> to vector<3072x128xbf16>
    %convert_element_type3A_93 = arith.extf %convert_element_type3A_92 : vector<3072x128xbf16> to vector<3072x128xf32>
    %sub3A_94 = arith.subf %mul3A_87, %convert_element_type3A_93 : vector<3072x128xf32>
    %convert_element_type3A_95 = arith.truncf %sub3A_94 : vector<3072x128xf32> to vector<3072x128xbf16>
    %concatenate3A_96 = tpu.concatenate %convert_element_type3A_88, %convert_element_type3A_92, %convert_element_type3A_91, %convert_element_type3A_95 in 1 : vector<3072x128xbf16>, vector<3072x128xbf16>, vector<3072x128xbf16>, vector<3072x128xbf16> -> vector<3072x512xbf16>
    %get3A_97 = arith.constant 0 : index
    %get3A_98 = arith.constant 0 : index
    %get3A_99 = vector.load %arg5[%get3A_97, %get3A_98] : memref<512x128xbf16, #tpu.memory_space<vmem>>, vector<512x128xbf16>
    %dot_general3A_100 = arith.constant dense<0.000000e+00> : vector<3072x128xf32>
    %dot_general3A_101 = tpu.matmul %concatenate3A_96, %get3A_99, %dot_general3A_100 {dimension_numbers = #tpu.dot_dimension_numbers<[1], [0], [0], [1], [0, 0, 1, 1], [], []>, transpose_lhs_hint = false} : vector<3072x512xbf16>, vector<512x128xbf16>, vector<3072x128xf32> -> vector<3072x128xf32>
    %lt3A_102 = arith.constant 25 : i32
    %lt3A_103 = vector.broadcast %lt3A_102 : i32 to vector<3072x128xi32>
    %lt3A_104 = arith.cmpi slt, %iota3A_86, %lt3A_103 : vector<3072x128xi32>
    %add3A_105 = arith.constant 9.99999996E-13 : f32
    %add3A_106 = vector.broadcast %add3A_105 : f32 to vector<3072x128xf32>
    %add3A_107 = arith.addf %dot_general3A_101, %add3A_106 : vector<3072x128xf32>
    %sqrt3A = math.sqrt %add3A_107 : vector<3072x128xf32>
    %select_n3A_108 = arith.select %lt3A_104, %sqrt3A, %dot_general3A_101 : vector<3072x128xi1>, vector<3072x128xf32>
    %mul3A_109 = arith.constant 4.000000e-01 : f32
    %mul3A_110 = vector.broadcast %mul3A_109 : f32 to vector<3072x128xf32>
    %mul3A_111 = arith.mulf %select_n3A_108, %mul3A_110 : vector<3072x128xf32>
    %convert_element_type3A_112 = arith.truncf %mul3A_111 : vector<3072x128xf32> to vector<3072x128xbf16>
    %convert_element_type3A_113 = arith.extf %convert_element_type3A_112 : vector<3072x128xbf16> to vector<3072x128xf32>
    %sub3A_114 = arith.subf %mul3A_111, %convert_element_type3A_113 : vector<3072x128xf32>
    %convert_element_type3A_115 = arith.truncf %sub3A_114 : vector<3072x128xf32> to vector<3072x128xbf16>
    %concatenate3A_116 = tpu.concatenate %convert_element_type3A_112, %convert_element_type3A_115 in 1 : vector<3072x128xbf16>, vector<3072x128xbf16> -> vector<3072x256xbf16>
    %get3A_117 = arith.constant 0 : index
    %get3A_118 = arith.constant 0 : index
    %get3A_119 = vector.load %arg6[%get3A_117, %get3A_118] : memref<256x512xbf16, #tpu.memory_space<vmem>>, vector<256x512xbf16>
    %dot_general3A_120 = arith.constant dense<0.000000e+00> : vector<3072x512xf32>
    %dot_general3A_121 = tpu.matmul %concatenate3A_116, %get3A_119, %dot_general3A_120 {dimension_numbers = #tpu.dot_dimension_numbers<[1], [0], [0], [1], [0, 0, 1, 1], [], []>, transpose_lhs_hint = false} : vector<3072x256xbf16>, vector<256x512xbf16>, vector<3072x512xf32> -> vector<3072x512xf32>
    %square3A = arith.mulf %dot_general3A_121, %dot_general3A_121 : vector<3072x512xf32>
    %neg3A = arith.constant 0.000000e+00 : f32
    %neg3A_122 = vector.broadcast %neg3A : f32 to vector<3072x512xf32>
    %neg3A_123 = arith.subf %neg3A_122, %square3A : vector<3072x512xf32>
    %exp3A = math.exp %neg3A_123 : vector<3072x512xf32>
    %mul3A_124 = arith.constant 64 : i32
    %mul3A_125 = arith.muli %arg0, %mul3A_124 : i32
    %rem3A_126 = arith.constant 512 : i32
    %rem3A_127 = arith.remsi %mul3A_125, %rem3A_126 : i32
    %iota3A_128 = tpu.iota {dimensions = array<i32: 0>} : vector<3072x128xi32>
    %jit3A_129 = arith.constant 48 : i32
    %div3A_130 = vector.broadcast %jit3A_129 : i32 to vector<3072x128xi32>
    %div3A_131 = arith.divsi %iota3A_128, %div3A_130 : vector<3072x128xi32>
    %sign3A_132 = arith.constant 0 : i32
    %sign3A_133 = vector.broadcast %sign3A_132 : i32 to vector<3072x128xi32>
    %sign3A_134 = arith.cmpi sgt, %iota3A_128, %sign3A_133 : vector<3072x128xi32>
    %sign3A_135 = arith.extui %sign3A_134 : vector<3072x128xi1> to vector<3072x128xi32>
    %sign3A_136 = arith.constant 0 : i32
    %sign3A_137 = vector.broadcast %sign3A_136 : i32 to vector<3072x128xi32>
    %sign3A_138 = arith.cmpi slt, %iota3A_128, %sign3A_137 : vector<3072x128xi32>
    %sign3A_139 = arith.extui %sign3A_138 : vector<3072x128xi1> to vector<3072x128xi32>
    %sign3A_140 = arith.subi %sign3A_135, %sign3A_139 : vector<3072x128xi32>
    %sign3A_141 = arith.constant 0 : i32
    %sign3A_142 = arith.cmpi sgt, %jit3A_129, %sign3A_141 : i32
    %sign3A_143 = arith.extui %sign3A_142 : i1 to i32
    %sign3A_144 = arith.constant 0 : i32
    %sign3A_145 = arith.cmpi slt, %jit3A_129, %sign3A_144 : i32
    %sign3A_146 = arith.extui %sign3A_145 : i1 to i32
    %sign3A_147 = arith.subi %sign3A_143, %sign3A_146 : i32
    %ne3A_148 = vector.broadcast %sign3A_147 : i32 to vector<3072x128xi32>
    %ne3A_149 = arith.cmpi ne, %sign3A_140, %ne3A_148 : vector<3072x128xi32>
    %rem3A_150 = vector.broadcast %jit3A_129 : i32 to vector<3072x128xi32>
    %rem3A_151 = arith.remsi %iota3A_128, %rem3A_150 : vector<3072x128xi32>
    %ne3A_152 = arith.constant 0 : i32
    %ne3A_153 = vector.broadcast %ne3A_152 : i32 to vector<3072x128xi32>
    %ne3A_154 = arith.cmpi ne, %rem3A_151, %ne3A_153 : vector<3072x128xi32>
    %and3A_155 = arith.andi %ne3A_149, %ne3A_154 : vector<3072x128xi1>
    %sub3A_156 = arith.constant 1 : i32
    %sub3A_157 = vector.broadcast %sub3A_156 : i32 to vector<3072x128xi32>
    %sub3A_158 = arith.subi %div3A_131, %sub3A_157 : vector<3072x128xi32>
    %select_n3A_159 = arith.select %and3A_155, %sub3A_158, %div3A_131 : vector<3072x128xi1>, vector<3072x128xi32>
    %add3A_160 = vector.broadcast %rem3A_127 : i32 to vector<3072x128xi32>
    %add3A_161 = arith.addi %add3A_160, %select_n3A_159 : vector<3072x128xi32>
    %convert_element_type3A_162 = arith.sitofp %add3A_161 : vector<3072x128xi32> to vector<3072x128xf32>
    %sub3A_163 = arith.subf %slice3A_84, %convert_element_type3A_162 : vector<3072x128xf32>
    %add3A_164 = arith.constant 3.200000e+01 : f32
    %add3A_165 = vector.broadcast %add3A_164 : f32 to vector<3072x128xf32>
    %add3A_166 = arith.addf %sub3A_163, %add3A_165 : vector<3072x128xf32>
    %jit3A_167 = arith.constant 0.000000e+00 : f32
    %jit3A_168 = arith.constant 6.400000e+01 : f32
    %max3A = vector.broadcast %jit3A_167 : f32 to vector<3072x128xf32>
    %max3A_169 = arith.maximumf %max3A, %add3A_166 : vector<3072x128xf32>
    %min3A = vector.broadcast %jit3A_168 : f32 to vector<3072x128xf32>
    %min3A_170 = arith.minimumf %min3A, %max3A_169 : vector<3072x128xf32>
    %convert_element_type3A_171 = arith.sitofp %iota3A_86 : vector<3072x128xi32> to vector<3072x128xf32>
    %sub3A_172 = arith.subf %convert_element_type3A_171, %min3A_170 : vector<3072x128xf32>
    %abs3A = math.absf %sub3A_172 : vector<3072x128xf32>
    %lt3A_173 = arith.constant 5.000000e-01 : f32
    %lt3A_174 = vector.broadcast %lt3A_173 : f32 to vector<3072x128xf32>
    %lt3A_175 = arith.cmpf olt, %abs3A, %lt3A_174 : vector<3072x128xf32>
    %convert_element_type3A_176 = arith.extui %lt3A_175 : vector<3072x128xi1> to vector<3072x128xi32>
    %convert_element_type3A_177 = arith.sitofp %convert_element_type3A_176 : vector<3072x128xi32> to vector<3072x128xf32>
    %ge3A = arith.constant 66 : i32
    %ge3A_178 = vector.broadcast %ge3A : i32 to vector<3072x128xi32>
    %ge3A_179 = arith.cmpi sge, %iota3A_86, %ge3A_178 : vector<3072x128xi32>
    %lt3A_180 = arith.constant 75 : i32
    %lt3A_181 = vector.broadcast %lt3A_180 : i32 to vector<3072x128xi32>
    %lt3A_182 = arith.cmpi slt, %iota3A_86, %lt3A_181 : vector<3072x128xi32>
    %and3A_183 = arith.andi %ge3A_179, %lt3A_182 : vector<3072x128xi1>
    %jit3A_184 = arith.constant 0.000000e+00 : f32
    %broadcast_in_dim3A = vector.broadcast %jit3A_184 : f32 to vector<3072x128xf32>
    %select_n3A_185 = arith.select %and3A_183, %mul3A_111, %broadcast_in_dim3A : vector<3072x128xi1>, vector<3072x128xf32>
    %add3A_186 = arith.addf %convert_element_type3A_177, %select_n3A_185 : vector<3072x128xf32>
    %convert_element_type3A_187 = arith.truncf %exp3A : vector<3072x512xf32> to vector<3072x512xbf16>
    %get3A_188 = arith.constant 0 : index
    %get3A_189 = arith.constant 0 : index
    %get3A_190 = vector.load %arg7[%get3A_188, %get3A_189] : memref<512x128xbf16, #tpu.memory_space<vmem>>, vector<512x128xbf16>
    %dot_general3A_191 = arith.constant dense<0.000000e+00> : vector<3072x128xf32>
    %dot_general3A_192 = tpu.matmul %convert_element_type3A_187, %get3A_190, %dot_general3A_191 {dimension_numbers = #tpu.dot_dimension_numbers<[1], [0], [0], [1], [0, 0, 1, 1], [], []>, transpose_lhs_hint = false} : vector<3072x512xbf16>, vector<512x128xbf16>, vector<3072x128xf32> -> vector<3072x128xf32>
    %convert_element_type3A_193 = arith.truncf %add3A_186 : vector<3072x128xf32> to vector<3072x128xbf16>
    %get3A_194 = arith.constant 0 : index
    %get3A_195 = arith.constant 0 : index
    %get3A_196 = vector.load %arg8[%get3A_194, %get3A_195] : memref<128x128xbf16, #tpu.memory_space<vmem>>, vector<128x128xbf16>
    %dot_general3A_197 = arith.constant dense<0.000000e+00> : vector<3072x128xf32>
    %dot_general3A_198 = tpu.matmul %convert_element_type3A_193, %get3A_196, %dot_general3A_197 {dimension_numbers = #tpu.dot_dimension_numbers<[1], [0], [0], [1], [0, 0, 1, 1], [], []>, transpose_lhs_hint = false} : vector<3072x128xbf16>, vector<128x128xbf16>, vector<3072x128xf32> -> vector<3072x128xf32>
    %add3A_199 = arith.addf %dot_general3A_192, %dot_general3A_198 : vector<3072x128xf32>
    %get3A_200 = arith.constant 0 : index
    %get3A_201 = arith.constant 0 : index
    %get3A_202 = vector.load %arg9[%get3A_200, %get3A_201] : memref<1x128xf32, #tpu.memory_space<vmem>>, vector<1x128xf32>
    %add3A_203 = vector.broadcast %get3A_202 : vector<1x128xf32> to vector<3072x128xf32>
    %add3A_204 = arith.addf %add3A_199, %add3A_203 : vector<3072x128xf32>
    %mul3A_205 = arith.mulf %add3A_204, %add3A_204 : vector<3072x128xf32>
    %reduce_sum3A = arith.constant dense<0.000000e+00> : vector<3072xf32>
    %reduce_sum3A_206 = vector.multi_reduction <add>, %mul3A_205, %reduce_sum3A [1] : vector<3072x128xf32> to vector<3072xf32>
    %broadcast_in_dim3A_207 = vector.shape_cast %reduce_sum3A_206 : vector<3072xf32> to vector<3072x1xf32>
    %div3A_208 = arith.constant 1.280000e+02 : f32
    %div3A_209 = vector.broadcast %div3A_208 : f32 to vector<3072x1xf32>
    %div3A_210 = arith.divf %broadcast_in_dim3A_207, %div3A_209 : vector<3072x1xf32>
    %add3A_211 = arith.constant 9.99999997E-7 : f32
    %add3A_212 = vector.broadcast %add3A_211 : f32 to vector<3072x1xf32>
    %add3A_213 = arith.addf %div3A_210, %add3A_212 : vector<3072x1xf32>
    %rsqrt3A = math.rsqrt %add3A_213 : vector<3072x1xf32>
    %mul3A_214 = vector.broadcast %rsqrt3A : vector<3072x1xf32> to vector<3072x128xf32>
    %mul3A_215 = arith.mulf %add3A_204, %mul3A_214 : vector<3072x128xf32>
    %get3A_216 = arith.constant 0 : index
    %get3A_217 = arith.constant 0 : index
    %get3A_218 = vector.load %arg10[%get3A_216, %get3A_217] : memref<1x128xf32, #tpu.memory_space<vmem>>, vector<1x128xf32>
    %mul3A_219 = vector.broadcast %get3A_218 : vector<1x128xf32> to vector<3072x128xf32>
    %mul3A_220 = arith.mulf %mul3A_215, %mul3A_219 : vector<3072x128xf32>
    %get3A_221 = arith.constant 0 : index
    %get3A_222 = arith.constant 0 : index
    %get3A_223 = vector.load %arg11[%get3A_221, %get3A_222] : memref<1x128xf32, #tpu.memory_space<vmem>>, vector<1x128xf32>
    %add3A_224 = vector.broadcast %get3A_223 : vector<1x128xf32> to vector<3072x128xf32>
    %add3A_225 = arith.addf %mul3A_220, %add3A_224 : vector<3072x128xf32>
    %swap3A = arith.constant 0 : index
    %swap3A_226 = arith.constant 0 : index
    %swap3A_227 = vector.load %arg12[%swap3A, %swap3A_226] : memref<3072x128xf32, #tpu.memory_space<vmem>>, vector<3072x128xf32>
    tpu.vector_store %arg12[%swap3A, %swap3A_226], %add3A_225 {strides = array<i32>} : memref<3072x128xf32, #tpu.memory_space<vmem>>, vector<3072x128xf32>,
    return
  }
  func.func @transform_0(%arg0: i32) -> (i32, i32) {
    %c0_i32 = arith.constant 0 : i32
    %c0_i32_0 = arith.constant 0 : i32
    return %arg0, %c0_i32 : i32, i32
  }
  func.func @transform_1(%arg0: i32) -> (i32, i32) {
    %c0_i32 = arith.constant 0 : i32
    %c0_i32_0 = arith.constant 0 : i32
    return %arg0, %c0_i32 : i32, i32
  }
  func.func @transform_2(%arg0: i32) -> (i32, i32) {
    %c0_i32 = arith.constant 0 : i32
    %c0_i32_0 = arith.constant 0 : i32
    %c0_i32_1 = arith.constant 0 : i32
    return %c0_i32, %c0_i32_0 : i32, i32
  }
  func.func @transform_3(%arg0: i32) -> (i32, i32) {
    %c0_i32 = arith.constant 0 : i32
    %c0_i32_0 = arith.constant 0 : i32
    %c0_i32_1 = arith.constant 0 : i32
    return %c0_i32, %c0_i32_0 : i32, i32
  }
  func.func @transform_4(%arg0: i32) -> (i32, i32) {
    %c0_i32 = arith.constant 0 : i32
    %c0_i32_0 = arith.constant 0 : i32
    %c0_i32_1 = arith.constant 0 : i32
    return %c0_i32, %c0_i32_0 : i32, i32
  }
  func.func @transform_5(%arg0: i32) -> (i32, i32) {
    %c0_i32 = arith.constant 0 : i32
    %c0_i32_0 = arith.constant 0 : i32
    %c0_i32_1 = arith.constant 0 : i32
    return %c0_i32, %c0_i32_0 : i32, i32
  }
  func.func @transform_6(%arg0: i32) -> (i32, i32) {
    %c0_i32 = arith.constant 0 : i32
    %c0_i32_0 = arith.constant 0 : i32
    %c0_i32_1 = arith.constant 0 : i32
    return %c0_i32, %c0_i32_0 : i32, i32
  }
  func.func @transform_7(%arg0: i32) -> (i32, i32) {
    %c0_i32 = arith.constant 0 : i32
    %c0_i32_0 = arith.constant 0 : i32
    %c0_i32_1 = arith.constant 0 : i32
    return %c0_i32, %c0_i32_0 : i32, i32
  }
  func.func @transform_8(%arg0: i32) -> (i32, i32) {
    %c0_i32 = arith.constant 0 : i32
    %c0_i32_0 = arith.constant 0 : i32
    %c0_i32_1 = arith.constant 0 : i32
    return %c0_i32, %c0_i32_0 : i32, i32
  }
  func.func @transform_9(%arg0: i32) -> (i32, i32) {
    %c0_i32 = arith.constant 0 : i32
    %c0_i32_0 = arith.constant 0 : i32
    %c0_i32_1 = arith.constant 0 : i32
    return %c0_i32, %c0_i32_0 : i32, i32
  }
  func.func @transform_10(%arg0: i32) -> (i32, i32) {
    %c0_i32 = arith.constant 0 : i32
    %c0_i32_0 = arith.constant 0 : i32
    %c0_i32_1 = arith.constant 0 : i32
    return %c0_i32, %c0_i32_0 : i32, i32
  }
  func.func @transform_11(%arg0: i32) -> (i32, i32) {
    %c0_i32 = arith.constant 0 : i32
    %c0_i32_0 = arith.constant 0 : i32
    return %arg0, %c0_i32 : i32, i32
  }
}

</mosaic_0001>

<sc_bundles>
// kernel: kernel.5.cloned.1.call-start
scs
__scs_entry_jumppad:
0x0: {  	(pc) =	sbr.rel $0x88, $3  }
0x1: {  	(tag) =	ssettag $0x0;
	lr =	simm.s32 $0x1  }
0x2: {  	[smem:$0x3F97] =	sst lr;
	_ =	strace $0xD0000000  }
0x3: {  	_ = 	snop  }
0x4: {  	_ = 	snop  }
0x5: {  	_ = 	snop  }
0x6: {  	_ = 	snop  }
0x7: {  	_ = 	snop  }
__scs_overlays_trampoline_lowered:
0x8: {  	[smem:$0x3FA6] =	sst s0  }
0x9: {  	[smem:$0x3FA7] =	sst s1  }
0xa: {  	[smem:$0x3FA8] =	sst s2  }
0xb: {  	[smem:$0x3FA9] =	sst s3  }
0xc: {  	[smem:$0x3FAA] =	sst s4  }
0xd: {  	[smem:$0x3FAB] =	sst s5  }
0xe: {  	[smem:$0x3FAC] =	sst s6  }
0xf: {  	[smem:$0x3FAD] =	sst s7  }
0x10: {  	[smem:$0x3FAE] =	sst s8  }
0x11: {  	[smem:$0x3FAF] =	sst s9;
	s0 =	simm.s32 @!p0 $0x0  }
0x12: {  	s1 =	sld [smem:$0x3F95];
	s0 =	simm.s32 @p0 $0x1  }
0x13: {  	[smem:$0x3FB0] =	sst s0;
	s0 =	simm.s32 @!p1 $0x0  }
0x14: {  	s2 =	sld [smem:$0x3F94];
	s0 =	simm.s32 @p1 $0x1  }
0x15: {  	[smem:$0x3FB1] =	sst s0;
	s0 =	simm.s32 @!p2 $0x0  }
0x16: {  	s3 =	sld [smem:$0x3FDB];
	s0 =	simm.s32 @p2 $0x1  }
0x17: {  	s4 =	simm.s32 $0x1BF5;
	[smem:$0x3FB3] =	sst s0  }
0x18: {  	s0 =	sld [smem:$0x3F96];
	_ =	swait.ge [sflag:s4], $0x0  }
0x19: {  	s7 =	sld [smem:$0x3F97]  }
0x1a: {  	s8 =	sadd.s32 $0xFFFFE003, lr  }
0x1b: {  	s9 =	sadd.s32 $0xFFFFFEF7, lr;
	s5 =	simm.s32 $0xFFFFFFFF;
	p2 =	slt.u32 s8, $0xFFFFF086  }
0x1c: {  	p1 =	slt.u32 s9, $0xF7A;
	s5 =	simm.s32 @!p2 $0x0  }
0x1d: {  	s5 =	simm.s32 @p1 $0x1;
	p0 =	seq.s32 s7, s2  }
0x1e: {  	s7 =	smul.u32 @!p0 $0xF7A, s2;
	p2 =	seq.s32 @!p0 s5, $0x0  }
0x1f: {  	s9 =	smul.u32 $0xF7A, s1;
	s8 =	simm.s32 @!p0 $0x1BF5;
	p2 =	por !p2, p0  }
0x20: {  	[sflag:s8] =	ssyncset.s32 @!p0 $0xFFFFF086;
	s6 =	sadd.s32 @!p0 s3, s7;
	s7 =	simm.s32 @!p0 $0x108  }
0x21: {  	s3 =	sadd.s32 s3, s9;
	s6 =	sadd.s32 @!p0 $0x88, s6;
	s7 =	simm.s32 @p2 $0x1082  }
0x22: {  	[simem:s7], [sflag:s8] =	dma.local @!p0 [hbm:s6], $0xF7A  }
0x23: {  	s9 =	sor.u32 $0xD0000000, s2;
	s6 =	simm.s32 $0x108;
	_ =	swait.ge @!p0 [sflag:s8], $0x0  }
0x24: {  	s3 =	sadd.s32 $0x88, s3;
	s6 =	simm.s32 @!p1 $0x1082;
	[sflag:s4] =	ssyncset.s32 $0xFFFFF086  }
0x25: {  	[simem:s6], [sflag:s4] =	dma.local [hbm:s3], $0xF7A  }
0x26: {  	[smem:$0x3F97] =	sst s1;
	(tag) =	ssettag s2;
	_ =	strace s9  }
0x27: {  	s1 =	sld [smem:$0x3FA7]  }
0x28: {  	s2 =	sld [smem:$0x3FA8]  }
0x29: {  	s4 =	sld [smem:$0x3FAA]  }
0x2a: {  	p0 =	seq.s32 s5, $0x0;
	s5 =	sld [smem:$0x3FAB]  }
0x2b: {  	s6 =	sld [smem:$0x3FAC]  }
0x2c: {  	s7 =	sld [smem:$0x3FAD]  }
0x2d: {  	s3 =	simm.s32 $0x108;
	s8 =	sld [smem:$0x3FAE]  }
0x2e: {  	s3 =	simm.s32 @!p0 $0x1082;
	s9 =	sld [smem:$0x3FAF]  }
0x2f: {  	lr =	sadd.s32 s0, s3;
	s0 =	sld [smem:$0x3FA6]  }
0x30: {  	s3 =	sld [smem:$0x3FA9]  }
0x31: {  	[smem:$0x3FB2] =	sst s10  }
0x32: {  	s10 =	sld [smem:$0x3FB0];
	_ =	sdelay $0x3  }
0x33: {  	p0 =	seq.s32 s10, $0x1;
	s10 =	sld [smem:$0x3FB2];
	_ =	sdelay $0x3  }
0x34: {  	[smem:$0x3FB2] =	sst s10  }
0x35: {  	s10 =	sld [smem:$0x3FB1];
	_ =	sdelay $0x3  }
0x36: {  	p1 =	seq.s32 s10, $0x1;
	s10 =	sld [smem:$0x3FB2];
	_ =	sdelay $0x3  }
0x37: {  	[smem:$0x3FB2] =	sst s10  }
0x38: {  	s10 =	sld [smem:$0x3FB3]  }
0x39: {  	_ = 	snop;
	(pc) =	sbr.ind lr, $3  }
0x3a: {  	_ = 	snop  }
0x3b: {  	_ = 	snop  }
0x3c: {  	p2 =	seq.s32 s10, $0x1;
	s10 =	sld [smem:$0x3FB2]  }
0x3d: {  	_ =	shalt  }
0x3e: {  	_ =	shalt  }
0x3f: {  	_ =	shalt  }
0x40: {  	_ =	shalt  }
0x41: {  	_ =	shalt  }
0x42: {  	_ =	shalt  }
0x43: {  	_ =	shalt  }
0x44: {  	_ =	shalt  }
0x45: {  	_ =	shalt  }
0x46: {  	_ =	shalt  }
0x47: {  	_ =	shalt  }
0x48: {  	_ =	shalt  }
0x49: {  	_ =	shalt  }
0x4a: {  	_ =	shalt  }
0x4b: {  	_ =	shalt  }
0x4c: {  	_ =	shalt  }
0x4d: {  	_ =	shalt  }
0x4e: {  	_ =	shalt  }
0x4f: {  	_ =	shalt  }
0x50: {  	_ =	shalt  }
0x51: {  	_ =	shalt  }
0x52: {  	_ =	shalt  }
0x53: {  	_ =	shalt  }
0x54: {  	_ =	shalt  }
0x55: {  	_ =	shalt  }
0x56: {  	_ =	shalt  }
0x57: {  	_ =	shalt  }
0x58: {  	_ =	shalt  }
0x59: {  	_ =	shalt  }
0x5a: {  	_ =	shalt  }
0x5b: {  	_ =	shalt  }
0x5c: {  	_ =	shalt  }
0x5d: {  	_ =	shalt  }
0x5e: {  	_ =	shalt  }
0x5f: {  	_ =	shalt  }
0x60: {  	_ =	shalt  }
0x61: {  	_ =	shalt  }
0x62: {  	_ =	shalt  }
0x63: {  	_ =	shalt  }
0x64: {  	_ =	shalt  }
0x65: {  	_ =	shalt  }
0x66: {  	_ =	shalt  }
0x67: {  	_ =	shalt  }
0x68: {  	_ =	shalt  }
0x69: {  	_ =	shalt  }
0x6a: {  	_ =	shalt  }
0x6b: {  	_ =	shalt  }
0x6c: {  	_ =	shalt  }
0x6d: {  	_ =	shalt  }
0x6e: {  	_ =	shalt  }
0x6f: {  	_ =	shalt  }
0x70: {  	_ =	shalt  }
0x71: {  	_ =	shalt  }
0x72: {  	_ =	shalt  }
0x73: {  	_ =	shalt  }
0x74: {  	_ =	shalt  }
0x75: {  	_ =	shalt  }
0x76: {  	_ =	shalt  }
0x77: {  	_ =	shalt  }
0x78: {  	_ =	shalt  }
0x79: {  	_ =	shalt  }
0x7a: {  	_ =	shalt  }
0x7b: {  	_ =	shalt  }
0x7c: {  	_ =	shalt  }
0x7d: {  	_ =	shalt  }
0x7e: {  	_ =	shalt  }
0x7f: {  	_ =	shalt  }
0x80: {  	_ =	shalt  }
0x81: {  	_ =	shalt  }
0x82: {  	_ =	shalt  }
0x83: {  	_ =	shalt  }
0x84: {  	_ =	shalt  }
0x85: {  	_ =	shalt  }
0x86: {  	_ =	shalt  }
0x87: {  	_ =	shalt  }
.Lfunc_end0:
.L_simem_size_0:
called_computation_lowered:
.L_overlay_start_0:
0x88: {  	s2 =	sld [smem:$0x3FD9]  }
0x89: {  	s3 =	sld [smem:$0x3FFE];
	_ =	sdelay $0x1  }
0x8a: {  	s1 =	srdreg.scid  }
0x8b: {  	s0 =	sand.u32 $0x1, s1  }
0x8c: {  	s14 =	sshll.u32 s0, $0xA;
	s2 =	sadd.s32 s3, s2  }
0x8d: {  	s2 =	sadd.s32 s2, s14  }
0x8e: {  	[smem:$0x3FBE] =	sst s2  }
0x8f: {  	_ = 	snop  }
0x90: {  	s2 =	sld [smem:$0x3FD0];
	_ =	sdelay $0x2  }
0x91: {  	s15 =	simm.s32 $0xA;
	s4 =	simm.s32 $0x10  }
0x92: {  	[smem:s4], [sflag:s15] =	dma.local [hbm:s2], $0x1  }
0x93: {  	_ =	swait.eq [sflag:s15], $0x1  }
0x94: {  	[sflag:s15] =	ssyncset.done $0x0  }
0x95: {  	s16 =	sld [smem:$0x10];
	[sflag:s15] =	ssyncadd.s32 $0xFFFFFFFF  }
0x96: {  	s17 =	sld [smem:$0x11];
	(tm) =	ssettm $0x1  }
0x97: {  	s18 =	sld [smem:$0x3FFB];
	_ =	sdelay $0x3  }
0x98: {  	_ =	strace s18  }
0x99: {  	s4 =	sld [smem:$0x3FFC];
	_ =	sdelay $0x3  }
0x9a: {  	_ =	strace s4  }
0x9b: {  	s4 =	sld [smem:$0x3FFD];
	_ =	sdelay $0x3  }
0x9c: {  	_ =	strace s4  }
0x9d: {  	_ =	strace $0x8FFFFFFF  }
0x9e: {  	s19 =	sld [smem:$0x3FDB];
	_ =	sdelay $0x1  }
0x9f: {  	s5 =	simm.s32 $_scs_section_size  }
0xa0: {  	s6 =	simm.s32 $_size__tile_overlayer_lowered;
	s7 =	simm.s32 $_tile_overlayer_lowered  }
0xa1: {  	s22 =	simm.s32 $0x1BFF;
	s21 =	sshll.u32 s7, $0x1;
	s4 =	sadd.s32 s5, s19  }
0xa2: {  	s8 =	simm.s32 $0x0;
	s20 =	sshll.u32 s6, $0x1;
	s6 =	sadd.s32 s21, s4  }
0xa3: {  	[timem:s8], [sflag:s22] =	dma.local [hbm:s6], s20  }
0xa4: {  	_ =	swait.ge [sflag:s22], s20  }
0xa5: {  	s5 =	ssub.s32 $0x0, s20;
	[sflag:s22] =	ssyncset.done $0x0  }
0xa6: {  	[sflag:s22] =	ssyncadd.s32 s5;
	_ =	sdelay $0x1  }
0xa7: {  	s23 =	simm.s32 $0x1B8B  }
0xa8: {  	_ =	swait.ge [sflag:s23], $0x1  }
0xa9: {  	[sflag:s23] =	ssyncset.done $0x0  }
0xaa: {  	s25 =	simm.s32 $0x1B8E;
	s24 =	sld [smem:$0x3FFE];
	[sflag:s23] =	ssyncadd.s32 $0xFFFFFFFF  }
0xab: {  	s26 =	simm.s32 $execute0_lowered;
	[smem:$0x3FD2] =	sst s25  }
0xac: {  	s6 =	sshll.u32 s26, $0x1;
	_ =	strace $0x80000046;
	[dreg:$0x1] =	wrdreg $0xFFFFFFFF  }
0xad: {  	s28 =	simm.s32 $_size_execute0_lowered;
	s4 =	sadd.s32 s4, s6;
	[dreg:$0x0] =	wrdreg $0x0  }
0xae: {  	s6 =	sshll.u32 s28, $0x1;
	[dreg:$0x2] =	wrdreg s4  }
0xaf: {  	[dreg:$0x3] =	wrdreg s6  }
0xb0: {  	[dreg:$0x4] =	wrdreg $0xC0  }
0xb1: {  	_ =	task [dreg:s8], $0x5FFFF  }
0xb2: {  	[dreg:$0x1] =	wrdreg $0xFFFFFFFF  }
0xb3: {  	[dreg:$0x0] =	wrdreg $0x60  }
0xb4: {  	[dreg:$0x2] =	wrdreg s24  }
0xb5: {  	[dreg:$0x3] =	wrdreg s17  }
0xb6: {  	[dreg:$0x4] =	wrdreg s16  }
0xb7: {  	[dreg:$0x5] =	wrdreg $0x9  }
0xb8: {  	_ =	task.clear_ibuf [dreg:s8], $0x6FFFF;
	_ =	strace $0x90000046  }
0xb9: {  	s29 =	simm.s32 $0x9;
	_ =	strace $0x80000048  }
0xba: {  	_ =	swait.ge [sflag:s29], $0x1  }
0xbb: {  	[sflag:s29] =	ssyncadd.s32 $0xFFFFFFFF  }
0xbc: {  	_ =	strace $0x90000048  }
0xbd: {  	_ =	sfence  }
0xbe: {  	s30 =	sld [smem:$0x0];
	_ =	sdelay $0x2  }
0xbf: {  	s31 =	sshll.u32 s1, $0xD;
	s1 =	sshrl.u32 s1, $0x2  }
0xc0: {  	s3 =	sand.u32 $0x4000, s31;
	s1 =	sadd.s32 s1, s30  }
0xc1: {  	s0 =	sor.u32 s3, s0;
	s1 =	sshll.u32 s1, $0x11  }
0xc2: {  	s0 =	sor.u32 s1, s0  }
0xc3: {  	s0 =	sadd.s32 $0x8F2B, s0  }
0xc4: {  	[sflag:s0] =	ssyncadd.remote.s32 $0x1  }
0xc5: {  	_ =	sfence.sel $0xFFFF  }
0xc6: {  	[dreg:$0x0] =	wrdreg $0xFFFFFFFF;
	(pc) =	sbr.abs _section_cstart, $3  }
0xc7: {  	[dreg:$0x1] =	wrdreg $0xFFFFFFFF  }
0xc8: {  	_ =	task.clear_ibuf [dreg:s8], $0x2FFFF;
	_ =	strace $0x9FFFFFFF  }
0xc9: {  	(tm) =	ssettm $0x7FFFFFFF  }
tec
execute0_lowered:
.L_overlay_start_1:
0x0: {  	(tag) =	ssettag $0x1  }
0x1: {  	s0 =	srdreg.scid;
	s2 =	stileid.u32  }
0x2: {  	s0 =	sand.u32 $0x1, s0;
	s2 =	sshll.u32 s2, $0x1  }
0x3: {  	s4 =	sor.u32 s0, s2  }
0x4: {  	s1 =	rddreg [dreg:$0x0];
	s6 =	smul.u32 $0x180, s4  }
0x5: {  	s3 =	rddreg [dreg:$0x1];
	s7 =	smul.u32 $0x3000, s4  }
0x6: {  	s5 =	rddreg [dreg:$0x2];
	s2 =	simm.s32 $0x0  }
0x7: {  	[smem:$0x7FF] =	sst s2;
	s3 =	sadd.s32 s3, s6;
	s24 =	sadd.s32 s5, s7  }
0x8: {  	_ =	strace $0x80000047;
	[dreg:$0x4] =	wrdreg s3;
	s20 =	sadd.s32 $0x200, s24  }
0x9: {  	s21 =	sadd.s32 $0x400, s24;
	[dreg:$0x5] =	wrdreg s20  }
0xa: {  	s22 =	sadd.s32 $0x600, s24;
	[dreg:$0x6] =	wrdreg s21  }
0xb: {  	s4 =	smul.u32 $0x18000, s4;
	s23 =	sadd.s32 $0x800, s24;
	[dreg:$0x7] =	wrdreg s22  }
0xc: {  	s25 =	sadd.s32 $0xA00, s24;
	[dreg:$0x8] =	wrdreg s23  }
0xd: {  	s4 =	sshrl.u32 s4, $0x3;
	s26 =	sadd.s32 $0xC00, s24;
	[dreg:$0x9] =	wrdreg s25  }
0xe: {  	s6 =	sadd.s32 $0xE00, s24;
	s5 =	sadd.s32 s5, s4;
	[dreg:$0xa] =	wrdreg s26  }
0xf: {  	[dreg:$0xb] =	wrdreg s6;
	s7 =	sadd.s32 $0x1000, s5  }
0x10: {  	s8 =	sadd.s32 $0x1200, s5;
	[dreg:$0xc] =	wrdreg s7  }
0x11: {  	s9 =	sadd.s32 $0x1400, s5;
	[dreg:$0xd] =	wrdreg s8  }
0x12: {  	s10 =	sadd.s32 $0x1600, s5;
	[dreg:$0xe] =	wrdreg s9  }
0x13: {  	s11 =	sadd.s32 $0x1800, s5;
	[dreg:$0xf] =	wrdreg s10  }
0x14: {  	s31 =	simm.s32 $0x200;
	s12 =	sadd.s32 $0x1A00, s5;
	[dreg:$0x10] =	wrdreg s11  }
0x15: {  	s30 =	simm.s32 $0x280;
	s13 =	sadd.s32 $0x1C00, s5;
	[dreg:$0x11] =	wrdreg s12  }
0x16: {  	s29 =	simm.s32 $0x300;
	s14 =	sadd.s32 $0x1E00, s5;
	[dreg:$0x12] =	wrdreg s13  }
0x17: {  	s28 =	simm.s32 $0x380;
	s15 =	sadd.s32 $0x2000, s5;
	[dreg:$0x13] =	wrdreg s14  }
0x18: {  	p0 =	por $0x0, $0x0;
	s16 =	sadd.s32 $0x2200, s5;
	[dreg:$0x14] =	wrdreg s15  }
0x19: {  	s0 =	ssub.s32 $0x2, s0;
	s17 =	sadd.s32 $0x2400, s5;
	[dreg:$0x15] =	wrdreg s16  }
0x1a: {  	s4 =	sadd.s32 $0x1800, s1;
	s18 =	sadd.s32 $0x2600, s5;
	[dreg:$0x16] =	wrdreg s17  }
0x1b: {  	s3 =	simm.s32 $0x3;
	s19 =	sadd.s32 $0x2800, s5;
	[dreg:$0x17] =	wrdreg s18  }
0x1c: {  	s20 =	sadd.s32 $0x2A00, s5;
	s21 =	sshrl.u32 s0, $0x1;
	[dreg:$0x18] =	wrdreg s19  }
0x1d: {  	s22 =	sadd.s32 $0x2C00, s5;
	s23 =	sadd.s32 $0x2E00, s5;
	[dreg:$0x19] =	wrdreg s20  }
0x1e: {  	s25 =	simm.s32 $0x100;
	s5 =	simm.s32 $0x1C00;
	[dreg:$0x1a] =	wrdreg s22  }
0x1f: {  	s26 =	simm.s32 $0x180;
	s6 =	simm.s32 $0x2;
	[dreg:$0x1b] =	wrdreg s23  }
0x20: {  	s0 =	ssub.s32 s0, s21;
	s8 =	simm.s32 $0x80;
	[dreg:$0x1c] =	wrdreg s25  }
0x21: {  	s7 =	simm.s32 $0xC00;
	s9 =	simm.s32 $0x1;
	[dreg:$0x1d] =	wrdreg s26  }
0x22: {  	s26 =	simm.s32 $0x400;
	s25 =	simm.s32 $0x480;
	s0 =	smax.u32 s0, $0x1  }
0x23: {  	s23 =	simm.s32 $0x500;
	s22 =	simm.s32 $0x580;
	p1 =	sne.s32 s0, $0x1  }
.Ltmp0:
0x24: {  	s21 =	simm.s32 $0x600;
	s20 =	simm.s32 $0x680;
	(pc) =	sbr.rel @!p1 .LBB2_3-.Ltmp0, $4  }
0x25: {  	s19 =	simm.s32 $0x700;
	s18 =	simm.s32 $0x780;
	s17 =	simm.s32 $0x800  }
0x26: {  	s16 =	simm.s32 $0x880;
	s15 =	simm.s32 $0x900;
	s14 =	simm.s32 $0x980  }
0x27: {  	s13 =	simm.s32 $0xA00;
	s12 =	simm.s32 $0xA80;
	s11 =	simm.s32 $0xB00  }
0x28: {  	s10 =	simm.s32 $0xB80;
	s1 =	sadd.s32 $0xFFFFFFFF, s0;
	s0 =	rddreg [dreg:$0x4]  }
0x29: {  	[tilespmem:s2], [sflag:$0x3] =	stream.linear.gather [hbm4b:s0+s2], $0xC00, $0x38;
	[tilespmem:$0x2C00] =	vst v63  }
0x2a: {  	_ =	swait.ge [sflag:s3], $0xC00  }
0x2b: {  	[sflag:s3] =	ssyncset.done $0x0  }
0x2c: {  	[sflag:s3] =	ssyncadd.s32 $0xFFFFF400  }
0x2d: {  	[tilespmem:s7], [sflag:$0x1] =	stream.indirect.gather [hbm4b:s4+s8], $0x20, s2, s8, $0xb8;
	[tilespmem:$0x2C00] =	vst v63  }
0x2e: {  	_ = 	snop  }
0x2f: {  	[tilespmem:s5], [sflag:$0x2] =	stream.indirect.gather [hbm4b:s4+s8], $0x20, s8, s8, $0xb8;
	[tilespmem:$0x2C00] =	vst v63  }
0x30: {  	_ =	swait.ge [sflag:s9], $0x1000  }
0x31: {  	[sflag:s9] =	ssyncset.done $0x0  }
0x32: {  	[sflag:s9] =	ssyncadd.s32 $0xFFFFF000  }
0x33: {  	[hbm4b:s24+s2] =	stream.linear.scatter [tilespmem:s7], [sflag:$0x3], $0x1000, $0x38;
	[tilespmem:$0x2C00] =	vst v63  }
0x34: {  	_ =	swait.ge [sflag:s3], $0x1000  }
0x35: {  	[sflag:s3] =	ssyncset.done $0x0  }
0x36: {  	s0 =	rddreg [dreg:$0x1c];
	[sflag:s3] =	ssyncadd.s32 $0xFFFFF000  }
0x37: {  	[tilespmem:s7], [sflag:$0x1] =	stream.indirect.gather [hbm4b:s4+s8], $0x20, s0, s8, $0xb8;
	[tilespmem:$0x2C00] =	vst v63  }
0x38: {  	_ =	swait.ge [sflag:s6], $0x1000  }
0x39: {  	[sflag:s6] =	ssyncset.done $0x0  }
0x3a: {  	s0 =	rddreg [dreg:$0x5];
	[sflag:s6] =	ssyncadd.s32 $0xFFFFF000  }
0x3b: {  	[hbm4b:s0+s2] =	stream.linear.scatter [tilespmem:s5], [sflag:$0x3], $0x1000, $0x38;
	[tilespmem:$0x2C00] =	vst v63  }
0x3c: {  	_ =	swait.ge [sflag:s3], $0x1000  }
0x3d: {  	[sflag:s3] =	ssyncset.done $0x0  }
0x3e: {  	s0 =	rddreg [dreg:$0x1d];
	[sflag:s3] =	ssyncadd.s32 $0xFFFFF000  }
0x3f: {  	[tilespmem:s5], [sflag:$0x2] =	stream.indirect.gather [hbm4b:s4+s8], $0x20, s0, s8, $0xb8;
	[tilespmem:$0x2C00] =	vst v63  }
0x40: {  	_ =	swait.ge [sflag:s9], $0x1000  }
0x41: {  	[sflag:s9] =	ssyncset.done $0x0  }
0x42: {  	s0 =	rddreg [dreg:$0x6];
	[sflag:s9] =	ssyncadd.s32 $0xFFFFF000  }
0x43: {  	[hbm4b:s0+s2] =	stream.linear.scatter [tilespmem:s7], [sflag:$0x3], $0x1000, $0x38;
	[tilespmem:$0x2C00] =	vst v63  }
0x44: {  	_ =	swait.ge [sflag:s3], $0x1000  }
0x45: {  	[sflag:s3] =	ssyncset.done $0x0  }
0x46: {  	[sflag:s3] =	ssyncadd.s32 $0xFFFFF000  }
0x47: {  	[tilespmem:s7], [sflag:$0x1] =	stream.indirect.gather [hbm4b:s4+s8], $0x20, s31, s8, $0xb8;
	[tilespmem:$0x2C00] =	vst v63  }
0x48: {  	_ =	swait.ge [sflag:s6], $0x1000  }
0x49: {  	[sflag:s6] =	ssyncset.done $0x0  }
0x4a: {  	s0 =	rddreg [dreg:$0x7];
	[sflag:s6] =	ssyncadd.s32 $0xFFFFF000  }
0x4b: {  	[hbm4b:s0+s2] =	stream.linear.scatter [tilespmem:s5], [sflag:$0x3], $0x1000, $0x38;
	[tilespmem:$0x2C00] =	vst v63  }
0x4c: {  	_ =	swait.ge [sflag:s3], $0x1000  }
0x4d: {  	[sflag:s3] =	ssyncset.done $0x0  }
0x4e: {  	[sflag:s3] =	ssyncadd.s32 $0xFFFFF000  }
0x4f: {  	[tilespmem:s5], [sflag:$0x2] =	stream.indirect.gather [hbm4b:s4+s8], $0x20, s30, s8, $0xb8;
	[tilespmem:$0x2C00] =	vst v63  }
0x50: {  	_ =	swait.ge [sflag:s9], $0x1000  }
0x51: {  	[sflag:s9] =	ssyncset.done $0x0  }
0x52: {  	s0 =	rddreg [dreg:$0x8];
	[sflag:s9] =	ssyncadd.s32 $0xFFFFF000  }
0x53: {  	[hbm4b:s0+s2] =	stream.linear.scatter [tilespmem:s7], [sflag:$0x3], $0x1000, $0x38;
	[tilespmem:$0x2C00] =	vst v63  }
0x54: {  	_ =	swait.ge [sflag:s3], $0x1000  }
0x55: {  	[sflag:s3] =	ssyncset.done $0x0  }
0x56: {  	[sflag:s3] =	ssyncadd.s32 $0xFFFFF000  }
0x57: {  	[tilespmem:s7], [sflag:$0x1] =	stream.indirect.gather [hbm4b:s4+s8], $0x20, s29, s8, $0xb8;
	[tilespmem:$0x2C00] =	vst v63  }
0x58: {  	_ =	swait.ge [sflag:s6], $0x1000  }
0x59: {  	[sflag:s6] =	ssyncset.done $0x0  }
0x5a: {  	s0 =	rddreg [dreg:$0x9];
	[sflag:s6] =	ssyncadd.s32 $0xFFFFF000  }
0x5b: {  	[hbm4b:s0+s2] =	stream.linear.scatter [tilespmem:s5], [sflag:$0x3], $0x1000, $0x38;
	[tilespmem:$0x2C00] =	vst v63  }
0x5c: {  	_ =	swait.ge [sflag:s3], $0x1000  }
0x5d: {  	[sflag:s3] =	ssyncset.done $0x0  }
0x5e: {  	[sflag:s3] =	ssyncadd.s32 $0xFFFFF000  }
0x5f: {  	[tilespmem:s5], [sflag:$0x2] =	stream.indirect.gather [hbm4b:s4+s8], $0x20, s28, s8, $0xb8;
	[tilespmem:$0x2C00] =	vst v63  }
0x60: {  	_ =	swait.ge [sflag:s9], $0x1000  }
0x61: {  	[sflag:s9] =	ssyncset.done $0x0  }
0x62: {  	s0 =	rddreg [dreg:$0xa];
	[sflag:s9] =	ssyncadd.s32 $0xFFFFF000  }
0x63: {  	[hbm4b:s0+s2] =	stream.linear.scatter [tilespmem:s7], [sflag:$0x3], $0x1000, $0x38;
	[tilespmem:$0x2C00] =	vst v63  }
0x64: {  	_ =	swait.ge [sflag:s3], $0x1000  }
0x65: {  	[sflag:s3] =	ssyncset.done $0x0  }
0x66: {  	[sflag:s3] =	ssyncadd.s32 $0xFFFFF000  }
0x67: {  	[tilespmem:s7], [sflag:$0x1] =	stream.indirect.gather [hbm4b:s4+s8], $0x20, s26, s8, $0xb8;
	[tilespmem:$0x2C00] =	vst v63  }
0x68: {  	_ =	swait.ge [sflag:s6], $0x1000  }
0x69: {  	[sflag:s6] =	ssyncset.done $0x0  }
0x6a: {  	s0 =	rddreg [dreg:$0xb];
	[sflag:s6] =	ssyncadd.s32 $0xFFFFF000  }
0x6b: {  	[hbm4b:s0+s2] =	stream.linear.scatter [tilespmem:s5], [sflag:$0x3], $0x1000, $0x38;
	[tilespmem:$0x2C00] =	vst v63  }
0x6c: {  	_ =	swait.ge [sflag:s3], $0x1000  }
0x6d: {  	[sflag:s3] =	ssyncset.done $0x0  }
0x6e: {  	[sflag:s3] =	ssyncadd.s32 $0xFFFFF000  }
0x6f: {  	[tilespmem:s5], [sflag:$0x2] =	stream.indirect.gather [hbm4b:s4+s8], $0x20, s25, s8, $0xb8;
	[tilespmem:$0x2C00] =	vst v63  }
0x70: {  	_ =	swait.ge [sflag:s9], $0x1000  }
0x71: {  	[sflag:s9] =	ssyncset.done $0x0  }
0x72: {  	s0 =	rddreg [dreg:$0xc];
	[sflag:s9] =	ssyncadd.s32 $0xFFFFF000  }
0x73: {  	[hbm4b:s0+s2] =	stream.linear.scatter [tilespmem:s7], [sflag:$0x3], $0x1000, $0x38;
	[tilespmem:$0x2C00] =	vst v63  }
0x74: {  	_ =	swait.ge [sflag:s3], $0x1000  }
0x75: {  	[sflag:s3] =	ssyncset.done $0x0  }
0x76: {  	[sflag:s3] =	ssyncadd.s32 $0xFFFFF000  }
0x77: {  	[tilespmem:s7], [sflag:$0x1] =	stream.indirect.gather [hbm4b:s4+s8], $0x20, s23, s8, $0xb8;
	[tilespmem:$0x2C00] =	vst v63  }
0x78: {  	_ =	swait.ge [sflag:s6], $0x1000  }
0x79: {  	[sflag:s6] =	ssyncset.done $0x0  }
0x7a: {  	s0 =	rddreg [dreg:$0xd];
	[sflag:s6] =	ssyncadd.s32 $0xFFFFF000  }
0x7b: {  	[hbm4b:s0+s2] =	stream.linear.scatter [tilespmem:s5], [sflag:$0x3], $0x1000, $0x38;
	[tilespmem:$0x2C00] =	vst v63  }
0x7c: {  	_ =	swait.ge [sflag:s3], $0x1000  }
0x7d: {  	[sflag:s3] =	ssyncset.done $0x0  }
0x7e: {  	[sflag:s3] =	ssyncadd.s32 $0xFFFFF000  }
0x7f: {  	[tilespmem:s5], [sflag:$0x2] =	stream.indirect.gather [hbm4b:s4+s8], $0x20, s22, s8, $0xb8;
	[tilespmem:$0x2C00] =	vst v63  }
0x80: {  	_ =	swait.ge [sflag:s9], $0x1000  }
0x81: {  	[sflag:s9] =	ssyncset.done $0x0  }
0x82: {  	s0 =	rddreg [dreg:$0xe];
	[sflag:s9] =	ssyncadd.s32 $0xFFFFF000  }
0x83: {  	[hbm4b:s0+s2] =	stream.linear.scatter [tilespmem:s7], [sflag:$0x3], $0x1000, $0x38;
	[tilespmem:$0x2C00] =	vst v63  }
0x84: {  	_ =	swait.ge [sflag:s3], $0x1000  }
0x85: {  	[sflag:s3] =	ssyncset.done $0x0  }
0x86: {  	[sflag:s3] =	ssyncadd.s32 $0xFFFFF000  }
0x87: {  	[tilespmem:s7], [sflag:$0x1] =	stream.indirect.gather [hbm4b:s4+s8], $0x20, s21, s8, $0xb8;
	[tilespmem:$0x2C00] =	vst v63  }
0x88: {  	_ =	swait.ge [sflag:s6], $0x1000  }
0x89: {  	[sflag:s6] =	ssyncset.done $0x0  }
0x8a: {  	s0 =	rddreg [dreg:$0xf];
	[sflag:s6] =	ssyncadd.s32 $0xFFFFF000  }
0x8b: {  	[hbm4b:s0+s2] =	stream.linear.scatter [tilespmem:s5], [sflag:$0x3], $0x1000, $0x38;
	[tilespmem:$0x2C00] =	vst v63  }
0x8c: {  	_ =	swait.ge [sflag:s3], $0x1000  }
0x8d: {  	[sflag:s3] =	ssyncset.done $0x0  }
0x8e: {  	[sflag:s3] =	ssyncadd.s32 $0xFFFFF000  }
0x8f: {  	[tilespmem:s5], [sflag:$0x2] =	stream.indirect.gather [hbm4b:s4+s8], $0x20, s20, s8, $0xb8;
	[tilespmem:$0x2C00] =	vst v63  }
0x90: {  	_ =	swait.ge [sflag:s9], $0x1000  }
0x91: {  	[sflag:s9] =	ssyncset.done $0x0  }
0x92: {  	s0 =	rddreg [dreg:$0x10];
	[sflag:s9] =	ssyncadd.s32 $0xFFFFF000  }
0x93: {  	[hbm4b:s0+s2] =	stream.linear.scatter [tilespmem:s7], [sflag:$0x3], $0x1000, $0x38;
	[tilespmem:$0x2C00] =	vst v63  }
0x94: {  	_ =	swait.ge [sflag:s3], $0x1000  }
0x95: {  	[sflag:s3] =	ssyncset.done $0x0  }
0x96: {  	[sflag:s3] =	ssyncadd.s32 $0xFFFFF000  }
0x97: {  	[tilespmem:s7], [sflag:$0x1] =	stream.indirect.gather [hbm4b:s4+s8], $0x20, s19, s8, $0xb8;
	[tilespmem:$0x2C00] =	vst v63  }
0x98: {  	_ =	swait.ge [sflag:s6], $0x1000  }
0x99: {  	[sflag:s6] =	ssyncset.done $0x0  }
0x9a: {  	s0 =	rddreg [dreg:$0x11];
	[sflag:s6] =	ssyncadd.s32 $0xFFFFF000  }
0x9b: {  	[hbm4b:s0+s2] =	stream.linear.scatter [tilespmem:s5], [sflag:$0x3], $0x1000, $0x38;
	[tilespmem:$0x2C00] =	vst v63  }
0x9c: {  	_ =	swait.ge [sflag:s3], $0x1000  }
0x9d: {  	[sflag:s3] =	ssyncset.done $0x0  }
0x9e: {  	[sflag:s3] =	ssyncadd.s32 $0xFFFFF000  }
0x9f: {  	[tilespmem:s5], [sflag:$0x2] =	stream.indirect.gather [hbm4b:s4+s8], $0x20, s18, s8, $0xb8;
	[tilespmem:$0x2C00] =	vst v63  }
0xa0: {  	_ =	swait.ge [sflag:s9], $0x1000  }
0xa1: {  	[sflag:s9] =	ssyncset.done $0x0  }
0xa2: {  	s0 =	rddreg [dreg:$0x12];
	[sflag:s9] =	ssyncadd.s32 $0xFFFFF000  }
0xa3: {  	[hbm4b:s0+s2] =	stream.linear.scatter [tilespmem:s7], [sflag:$0x3], $0x1000, $0x38;
	[tilespmem:$0x2C00] =	vst v63  }
0xa4: {  	_ =	swait.ge [sflag:s3], $0x1000  }
0xa5: {  	[sflag:s3] =	ssyncset.done $0x0  }
0xa6: {  	[sflag:s3] =	ssyncadd.s32 $0xFFFFF000  }
0xa7: {  	[tilespmem:s7], [sflag:$0x1] =	stream.indirect.gather [hbm4b:s4+s8], $0x20, s17, s8, $0xb8;
	[tilespmem:$0x2C00] =	vst v63  }
0xa8: {  	_ =	swait.ge [sflag:s6], $0x1000  }
0xa9: {  	[sflag:s6] =	ssyncset.done $0x0  }
0xaa: {  	s0 =	rddreg [dreg:$0x13];
	[sflag:s6] =	ssyncadd.s32 $0xFFFFF000  }
0xab: {  	[hbm4b:s0+s2] =	stream.linear.scatter [tilespmem:s5], [sflag:$0x3], $0x1000, $0x38;
	[tilespmem:$0x2C00] =	vst v63  }
0xac: {  	_ =	swait.ge [sflag:s3], $0x1000  }
0xad: {  	[sflag:s3] =	ssyncset.done $0x0  }
0xae: {  	[sflag:s3] =	ssyncadd.s32 $0xFFFFF000  }
0xaf: {  	[tilespmem:s5], [sflag:$0x2] =	stream.indirect.gather [hbm4b:s4+s8], $0x20, s16, s8, $0xb8;
	[tilespmem:$0x2C00] =	vst v63  }
0xb0: {  	_ =	swait.ge [sflag:s9], $0x1000  }
0xb1: {  	[sflag:s9] =	ssyncset.done $0x0  }
0xb2: {  	s0 =	rddreg [dreg:$0x14];
	[sflag:s9] =	ssyncadd.s32 $0xFFFFF000  }
0xb3: {  	[hbm4b:s0+s2] =	stream.linear.scatter [tilespmem:s7], [sflag:$0x3], $0x1000, $0x38;
	[tilespmem:$0x2C00] =	vst v63  }
0xb4: {  	_ =	swait.ge [sflag:s3], $0x1000  }
0xb5: {  	[sflag:s3] =	ssyncset.done $0x0  }
0xb6: {  	[sflag:s3] =	ssyncadd.s32 $0xFFFFF000  }
0xb7: {  	[tilespmem:s7], [sflag:$0x1] =	stream.indirect.gather [hbm4b:s4+s8], $0x20, s15, s8, $0xb8;
	[tilespmem:$0x2C00] =	vst v63  }
0xb8: {  	_ =	swait.ge [sflag:s6], $0x1000  }
0xb9: {  	[sflag:s6] =	ssyncset.done $0x0  }
0xba: {  	s0 =	rddreg [dreg:$0x15];
	[sflag:s6] =	ssyncadd.s32 $0xFFFFF000  }
0xbb: {  	[hbm4b:s0+s2] =	stream.linear.scatter [tilespmem:s5], [sflag:$0x3], $0x1000, $0x38;
	[tilespmem:$0x2C00] =	vst v63  }
0xbc: {  	_ =	swait.ge [sflag:s3], $0x1000  }
0xbd: {  	[sflag:s3] =	ssyncset.done $0x0  }
0xbe: {  	[sflag:s3] =	ssyncadd.s32 $0xFFFFF000  }
0xbf: {  	[tilespmem:s5], [sflag:$0x2] =	stream.indirect.gather [hbm4b:s4+s8], $0x20, s14, s8, $0xb8;
	[tilespmem:$0x2C00] =	vst v63  }
0xc0: {  	_ =	swait.ge [sflag:s9], $0x1000  }
0xc1: {  	[sflag:s9] =	ssyncset.done $0x0  }
0xc2: {  	s0 =	rddreg [dreg:$0x16];
	[sflag:s9] =	ssyncadd.s32 $0xFFFFF000  }
0xc3: {  	[hbm4b:s0+s2] =	stream.linear.scatter [tilespmem:s7], [sflag:$0x3], $0x1000, $0x38;
	[tilespmem:$0x2C00] =	vst v63  }
0xc4: {  	_ =	swait.ge [sflag:s3], $0x1000  }
0xc5: {  	[sflag:s3] =	ssyncset.done $0x0  }
0xc6: {  	[sflag:s3] =	ssyncadd.s32 $0xFFFFF000  }
0xc7: {  	[tilespmem:s7], [sflag:$0x1] =	stream.indirect.gather [hbm4b:s4+s8], $0x20, s13, s8, $0xb8;
	[tilespmem:$0x2C00] =	vst v63  }
0xc8: {  	_ =	swait.ge [sflag:s6], $0x1000  }
0xc9: {  	[sflag:s6] =	ssyncset.done $0x0  }
0xca: {  	s0 =	rddreg [dreg:$0x17];
	[sflag:s6] =	ssyncadd.s32 $0xFFFFF000  }
0xcb: {  	[hbm4b:s0+s2] =	stream.linear.scatter [tilespmem:s5], [sflag:$0x3], $0x1000, $0x38;
	[tilespmem:$0x2C00] =	vst v63  }
0xcc: {  	_ =	swait.ge [sflag:s3], $0x1000  }
0xcd: {  	[sflag:s3] =	ssyncset.done $0x0  }
0xce: {  	[sflag:s3] =	ssyncadd.s32 $0xFFFFF000  }
0xcf: {  	[tilespmem:s5], [sflag:$0x2] =	stream.indirect.gather [hbm4b:s4+s8], $0x20, s12, s8, $0xb8;
	[tilespmem:$0x2C00] =	vst v63  }
0xd0: {  	_ =	swait.ge [sflag:s9], $0x1000  }
0xd1: {  	[sflag:s9] =	ssyncset.done $0x0  }
0xd2: {  	s0 =	rddreg [dreg:$0x18];
	[sflag:s9] =	ssyncadd.s32 $0xFFFFF000  }
0xd3: {  	[hbm4b:s0+s2] =	stream.linear.scatter [tilespmem:s7], [sflag:$0x3], $0x1000, $0x38;
	[tilespmem:$0x2C00] =	vst v63  }
0xd4: {  	_ =	swait.ge [sflag:s3], $0x1000  }
0xd5: {  	[sflag:s3] =	ssyncset.done $0x0  }
0xd6: {  	[sflag:s3] =	ssyncadd.s32 $0xFFFFF000  }
0xd7: {  	[tilespmem:s7], [sflag:$0x1] =	stream.indirect.gather [hbm4b:s4+s8], $0x20, s11, s8, $0xb8;
	[tilespmem:$0x2C00] =	vst v63  }
0xd8: {  	_ =	swait.ge [sflag:s6], $0x1000  }
0xd9: {  	[sflag:s6] =	ssyncset.done $0x0  }
0xda: {  	s0 =	rddreg [dreg:$0x19];
	[sflag:s6] =	ssyncadd.s32 $0xFFFFF000  }
0xdb: {  	[hbm4b:s0+s2] =	stream.linear.scatter [tilespmem:s5], [sflag:$0x3], $0x1000, $0x38;
	[tilespmem:$0x2C00] =	vst v63  }
0xdc: {  	_ =	swait.ge [sflag:s3], $0x1000  }
0xdd: {  	[sflag:s3] =	ssyncset.done $0x0  }
0xde: {  	[sflag:s3] =	ssyncadd.s32 $0xFFFFF000  }
0xdf: {  	[tilespmem:s5], [sflag:$0x2] =	stream.indirect.gather [hbm4b:s4+s8], $0x20, s10, s8, $0xb8;
	[tilespmem:$0x2C00] =	vst v63  }
0xe0: {  	_ =	swait.ge [sflag:s9], $0x1000  }
0xe1: {  	[sflag:s9] =	ssyncset.done $0x0  }
0xe2: {  	s0 =	rddreg [dreg:$0x1a];
	[sflag:s9] =	ssyncadd.s32 $0xFFFFF000  }
0xe3: {  	[hbm4b:s0+s2] =	stream.linear.scatter [tilespmem:s7], [sflag:$0x3], $0x1000, $0x38;
	[tilespmem:$0x2C00] =	vst v63  }
0xe4: {  	_ =	swait.ge [sflag:s3], $0x1000  }
0xe5: {  	[sflag:s3] =	ssyncset.done $0x0  }
0xe6: {  	[sflag:s3] =	ssyncadd.s32 $0xFFFFF000  }
0xe7: {  	p1 =	sne.s32 s1, $0x1;
	_ =	swait.ge [sflag:s6], $0x1000  }
.Ltmp1:
0xe8: {  	[sflag:s6] =	ssyncset.done $0x0;
	(pc) =	sbr.rel @!p1 .LBB2_3-.Ltmp1, $4  }
0xe9: {  	s0 =	rddreg [dreg:$0x1b];
	[sflag:s6] =	ssyncadd.s32 $0xFFFFF000  }
0xea: {  	[hbm4b:s0+s2] =	stream.linear.scatter [tilespmem:s5], [sflag:$0x3], $0x1000, $0x38;
	[tilespmem:$0x2C00] =	vst v63  }
0xeb: {  	s1 =	sadd.s32 $0xFFFFFFFF, s1;
	_ =	swait.ge [sflag:s3], $0x1000  }
0xec: {  	p0 =	por $0x1, $0x1;
	s0 =	rddreg [dreg:$0x4];
	[sflag:s3] =	ssyncset.done $0x0  }
.LBB2_2:
0xed: {  	[sflag:s3] =	ssyncadd.s32 $0xFFFFF000  }
0xee: {  	[tilespmem:s2], [sflag:$0x3] =	stream.linear.gather [hbm4b:s0+s2], $0xC00, $0x38;
	[tilespmem:$0x2C00] =	vst v63  }
0xef: {  	_ =	swait.ge [sflag:s3], $0xC00  }
0xf0: {  	[sflag:s3] =	ssyncset.done $0x0  }
0xf1: {  	[sflag:s3] =	ssyncadd.s32 $0xFFFFF400  }
0xf2: {  	[tilespmem:s7], [sflag:$0x1] =	stream.indirect.gather [hbm4b:s4+s8], $0x20, s2, s8, $0xb8;
	[tilespmem:$0x2C00] =	vst v63  }
0xf3: {  	_ = 	snop  }
0xf4: {  	[tilespmem:s5], [sflag:$0x2] =	stream.indirect.gather [hbm4b:s4+s8], $0x20, s8, s8, $0xb8;
	[tilespmem:$0x2C00] =	vst v63  }
0xf5: {  	_ =	swait.ge [sflag:s9], $0x1000  }
0xf6: {  	[sflag:s9] =	ssyncset.done $0x0  }
0xf7: {  	[sflag:s9] =	ssyncadd.s32 $0xFFFFF000  }
0xf8: {  	[hbm4b:s24+s2] =	stream.linear.scatter [tilespmem:s7], [sflag:$0x3], $0x1000, $0x38;
	[tilespmem:$0x2C00] =	vst v63  }
0xf9: {  	_ =	swait.ge [sflag:s3], $0x1000  }
0xfa: {  	[sflag:s3] =	ssyncset.done $0x0  }
0xfb: {  	s0 =	rddreg [dreg:$0x1c];
	[sflag:s3] =	ssyncadd.s32 $0xFFFFF000  }
0xfc: {  	[tilespmem:s7], [sflag:$0x1] =	stream.indirect.gather [hbm4b:s4+s8], $0x20, s0, s8, $0xb8;
	[tilespmem:$0x2C00] =	vst v63  }
0xfd: {  	_ =	swait.ge [sflag:s6], $0x1000  }
0xfe: {  	[sflag:s6] =	ssyncset.done $0x0  }
0xff: {  	s0 =	rddreg [dreg:$0x5];
	[sflag:s6] =	ssyncadd.s32 $0xFFFFF000  }
0x100: {  	[hbm4b:s0+s2] =	stream.linear.scatter [tilespmem:s5], [sflag:$0x3], $0x1000, $0x38;
	[tilespmem:$0x2C00] =	vst v63  }
0x101: {  	_ =	swait.ge [sflag:s3], $0x1000  }
0x102: {  	[sflag:s3] =	ssyncset.done $0x0  }
0x103: {  	s0 =	rddreg [dreg:$0x1d];
	[sflag:s3] =	ssyncadd.s32 $0xFFFFF000  }
0x104: {  	[tilespmem:s5], [sflag:$0x2] =	stream.indirect.gather [hbm4b:s4+s8], $0x20, s0, s8, $0xb8;
	[tilespmem:$0x2C00] =	vst v63  }
0x105: {  	_ =	swait.ge [sflag:s9], $0x1000  }
0x106: {  	[sflag:s9] =	ssyncset.done $0x0  }
0x107: {  	s0 =	rddreg [dreg:$0x6];
	[sflag:s9] =	ssyncadd.s32 $0xFFFFF000  }
0x108: {  	[hbm4b:s0+s2] =	stream.linear.scatter [tilespmem:s7], [sflag:$0x3], $0x1000, $0x38;
	[tilespmem:$0x2C00] =	vst v63  }
0x109: {  	_ =	swait.ge [sflag:s3], $0x1000  }
0x10a: {  	[sflag:s3] =	ssyncset.done $0x0  }
0x10b: {  	[sflag:s3] =	ssyncadd.s32 $0xFFFFF000  }
0x10c: {  	[tilespmem:s7], [sflag:$0x1] =	stream.indirect.gather [hbm4b:s4+s8], $0x20, s31, s8, $0xb8;
	[tilespmem:$0x2C00] =	vst v63  }
0x10d: {  	_ =	swait.ge [sflag:s6], $0x1000  }
0x10e: {  	[sflag:s6] =	ssyncset.done $0x0  }
0x10f: {  	s0 =	rddreg [dreg:$0x7];
	[sflag:s6] =	ssyncadd.s32 $0xFFFFF000  }
0x110: {  	[hbm4b:s0+s2] =	stream.linear.scatter [tilespmem:s5], [sflag:$0x3], $0x1000, $0x38;
	[tilespmem:$0x2C00] =	vst v63  }
0x111: {  	_ =	swait.ge [sflag:s3], $0x1000  }
0x112: {  	[sflag:s3] =	ssyncset.done $0x0  }
0x113: {  	[sflag:s3] =	ssyncadd.s32 $0xFFFFF000  }
0x114: {  	[tilespmem:s5], [sflag:$0x2] =	stream.indirect.gather [hbm4b:s4+s8], $0x20, s30, s8, $0xb8;
	[tilespmem:$0x2C00] =	vst v63  }
0x115: {  	_ =	swait.ge [sflag:s9], $0x1000  }
0x116: {  	[sflag:s9] =	ssyncset.done $0x0  }
0x117: {  	s0 =	rddreg [dreg:$0x8];
	[sflag:s9] =	ssyncadd.s32 $0xFFFFF000  }
0x118: {  	[hbm4b:s0+s2] =	stream.linear.scatter [tilespmem:s7], [sflag:$0x3], $0x1000, $0x38;
	[tilespmem:$0x2C00] =	vst v63  }
0x119: {  	_ =	swait.ge [sflag:s3], $0x1000  }
0x11a: {  	[sflag:s3] =	ssyncset.done $0x0  }
0x11b: {  	[sflag:s3] =	ssyncadd.s32 $0xFFFFF000  }
0x11c: {  	[tilespmem:s7], [sflag:$0x1] =	stream.indirect.gather [hbm4b:s4+s8], $0x20, s29, s8, $0xb8;
	[tilespmem:$0x2C00] =	vst v63  }
0x11d: {  	_ =	swait.ge [sflag:s6], $0x1000  }
0x11e: {  	[sflag:s6] =	ssyncset.done $0x0  }
0x11f: {  	s0 =	rddreg [dreg:$0x9];
	[sflag:s6] =	ssyncadd.s32 $0xFFFFF000  }
0x120: {  	[hbm4b:s0+s2] =	stream.linear.scatter [tilespmem:s5], [sflag:$0x3], $0x1000, $0x38;
	[tilespmem:$0x2C00] =	vst v63  }
0x121: {  	_ =	swait.ge [sflag:s3], $0x1000  }
0x122: {  	[sflag:s3] =	ssyncset.done $0x0  }
0x123: {  	[sflag:s3] =	ssyncadd.s32 $0xFFFFF000  }
0x124: {  	[tilespmem:s5], [sflag:$0x2] =	stream.indirect.gather [hbm4b:s4+s8], $0x20, s28, s8, $0xb8;
	[tilespmem:$0x2C00] =	vst v63  }
0x125: {  	_ =	swait.ge [sflag:s9], $0x1000  }
0x126: {  	[sflag:s9] =	ssyncset.done $0x0  }
0x127: {  	s0 =	rddreg [dreg:$0xa];
	[sflag:s9] =	ssyncadd.s32 $0xFFFFF000  }
0x128: {  	[hbm4b:s0+s2] =	stream.linear.scatter [tilespmem:s7], [sflag:$0x3], $0x1000, $0x38;
	[tilespmem:$0x2C00] =	vst v63  }
0x129: {  	_ =	swait.ge [sflag:s3], $0x1000  }
0x12a: {  	[sflag:s3] =	ssyncset.done $0x0  }
0x12b: {  	[sflag:s3] =	ssyncadd.s32 $0xFFFFF000  }
0x12c: {  	[tilespmem:s7], [sflag:$0x1] =	stream.indirect.gather [hbm4b:s4+s8], $0x20, s26, s8, $0xb8;
	[tilespmem:$0x2C00] =	vst v63  }
0x12d: {  	_ =	swait.ge [sflag:s6], $0x1000  }
0x12e: {  	[sflag:s6] =	ssyncset.done $0x0  }
0x12f: {  	s0 =	rddreg [dreg:$0xb];
	[sflag:s6] =	ssyncadd.s32 $0xFFFFF000  }
0x130: {  	[hbm4b:s0+s2] =	stream.linear.scatter [tilespmem:s5], [sflag:$0x3], $0x1000, $0x38;
	[tilespmem:$0x2C00] =	vst v63  }
0x131: {  	_ =	swait.ge [sflag:s3], $0x1000  }
0x132: {  	[sflag:s3] =	ssyncset.done $0x0  }
0x133: {  	[sflag:s3] =	ssyncadd.s32 $0xFFFFF000  }
0x134: {  	[tilespmem:s5], [sflag:$0x2] =	stream.indirect.gather [hbm4b:s4+s8], $0x20, s25, s8, $0xb8;
	[tilespmem:$0x2C00] =	vst v63  }
0x135: {  	_ =	swait.ge [sflag:s9], $0x1000  }
0x136: {  	[sflag:s9] =	ssyncset.done $0x0  }
0x137: {  	s0 =	rddreg [dreg:$0xc];
	[sflag:s9] =	ssyncadd.s32 $0xFFFFF000  }
0x138: {  	[hbm4b:s0+s2] =	stream.linear.scatter [tilespmem:s7], [sflag:$0x3], $0x1000, $0x38;
	[tilespmem:$0x2C00] =	vst v63  }
0x139: {  	_ =	swait.ge [sflag:s3], $0x1000  }
0x13a: {  	[sflag:s3] =	ssyncset.done $0x0  }
0x13b: {  	[sflag:s3] =	ssyncadd.s32 $0xFFFFF000  }
0x13c: {  	[tilespmem:s7], [sflag:$0x1] =	stream.indirect.gather [hbm4b:s4+s8], $0x20, s23, s8, $0xb8;
	[tilespmem:$0x2C00] =	vst v63  }
0x13d: {  	_ =	swait.ge [sflag:s6], $0x1000  }
0x13e: {  	[sflag:s6] =	ssyncset.done $0x0  }
0x13f: {  	s0 =	rddreg [dreg:$0xd];
	[sflag:s6] =	ssyncadd.s32 $0xFFFFF000  }
0x140: {  	[hbm4b:s0+s2] =	stream.linear.scatter [tilespmem:s5], [sflag:$0x3], $0x1000, $0x38;
	[tilespmem:$0x2C00] =	vst v63  }
0x141: {  	_ =	swait.ge [sflag:s3], $0x1000  }
0x142: {  	[sflag:s3] =	ssyncset.done $0x0  }
0x143: {  	[sflag:s3] =	ssyncadd.s32 $0xFFFFF000  }
0x144: {  	[tilespmem:s5], [sflag:$0x2] =	stream.indirect.gather [hbm4b:s4+s8], $0x20, s22, s8, $0xb8;
	[tilespmem:$0x2C00] =	vst v63  }
0x145: {  	_ =	swait.ge [sflag:s9], $0x1000  }
0x146: {  	[sflag:s9] =	ssyncset.done $0x0  }
0x147: {  	s0 =	rddreg [dreg:$0xe];
	[sflag:s9] =	ssyncadd.s32 $0xFFFFF000  }
0x148: {  	[hbm4b:s0+s2] =	stream.linear.scatter [tilespmem:s7], [sflag:$0x3], $0x1000, $0x38;
	[tilespmem:$0x2C00] =	vst v63  }
0x149: {  	_ =	swait.ge [sflag:s3], $0x1000  }
0x14a: {  	[sflag:s3] =	ssyncset.done $0x0  }
0x14b: {  	[sflag:s3] =	ssyncadd.s32 $0xFFFFF000  }
0x14c: {  	[tilespmem:s7], [sflag:$0x1] =	stream.indirect.gather [hbm4b:s4+s8], $0x20, s21, s8, $0xb8;
	[tilespmem:$0x2C00] =	vst v63  }
0x14d: {  	_ =	swait.ge [sflag:s6], $0x1000  }
0x14e: {  	[sflag:s6] =	ssyncset.done $0x0  }
0x14f: {  	s0 =	rddreg [dreg:$0xf];
	[sflag:s6] =	ssyncadd.s32 $0xFFFFF000  }
0x150: {  	[hbm4b:s0+s2] =	stream.linear.scatter [tilespmem:s5], [sflag:$0x3], $0x1000, $0x38;
	[tilespmem:$0x2C00] =	vst v63  }
0x151: {  	_ =	swait.ge [sflag:s3], $0x1000  }
0x152: {  	[sflag:s3] =	ssyncset.done $0x0  }
0x153: {  	[sflag:s3] =	ssyncadd.s32 $0xFFFFF000  }
0x154: {  	[tilespmem:s5], [sflag:$0x2] =	stream.indirect.gather [hbm4b:s4+s8], $0x20, s20, s8, $0xb8;
	[tilespmem:$0x2C00] =	vst v63  }
0x155: {  	_ =	swait.ge [sflag:s9], $0x1000  }
0x156: {  	[sflag:s9] =	ssyncset.done $0x0  }
0x157: {  	s0 =	rddreg [dreg:$0x10];
	[sflag:s9] =	ssyncadd.s32 $0xFFFFF000  }
0x158: {  	[hbm4b:s0+s2] =	stream.linear.scatter [tilespmem:s7], [sflag:$0x3], $0x1000, $0x38;
	[tilespmem:$0x2C00] =	vst v63  }
0x159: {  	_ =	swait.ge [sflag:s3], $0x1000  }
0x15a: {  	[sflag:s3] =	ssyncset.done $0x0  }
0x15b: {  	[sflag:s3] =	ssyncadd.s32 $0xFFFFF000  }
0x15c: {  	[tilespmem:s7], [sflag:$0x1] =	stream.indirect.gather [hbm4b:s4+s8], $0x20, s19, s8, $0xb8;
	[tilespmem:$0x2C00] =	vst v63  }
0x15d: {  	_ =	swait.ge [sflag:s6], $0x1000  }
0x15e: {  	[sflag:s6] =	ssyncset.done $0x0  }
0x15f: {  	s0 =	rddreg [dreg:$0x11];
	[sflag:s6] =	ssyncadd.s32 $0xFFFFF000  }
0x160: {  	[hbm4b:s0+s2] =	stream.linear.scatter [tilespmem:s5], [sflag:$0x3], $0x1000, $0x38;
	[tilespmem:$0x2C00] =	vst v63  }
0x161: {  	_ =	swait.ge [sflag:s3], $0x1000  }
0x162: {  	[sflag:s3] =	ssyncset.done $0x0  }
0x163: {  	[sflag:s3] =	ssyncadd.s32 $0xFFFFF000  }
0x164: {  	[tilespmem:s5], [sflag:$0x2] =	stream.indirect.gather [hbm4b:s4+s8], $0x20, s18, s8, $0xb8;
	[tilespmem:$0x2C00] =	vst v63  }
0x165: {  	_ =	swait.ge [sflag:s9], $0x1000  }
0x166: {  	[sflag:s9] =	ssyncset.done $0x0  }
0x167: {  	s0 =	rddreg [dreg:$0x12];
	[sflag:s9] =	ssyncadd.s32 $0xFFFFF000  }
0x168: {  	[hbm4b:s0+s2] =	stream.linear.scatter [tilespmem:s7], [sflag:$0x3], $0x1000, $0x38;
	[tilespmem:$0x2C00] =	vst v63  }
0x169: {  	_ =	swait.ge [sflag:s3], $0x1000  }
0x16a: {  	[sflag:s3] =	ssyncset.done $0x0  }
0x16b: {  	[sflag:s3] =	ssyncadd.s32 $0xFFFFF000  }
0x16c: {  	[tilespmem:s7], [sflag:$0x1] =	stream.indirect.gather [hbm4b:s4+s8], $0x20, s17, s8, $0xb8;
	[tilespmem:$0x2C00] =	vst v63  }
0x16d: {  	_ =	swait.ge [sflag:s6], $0x1000  }
0x16e: {  	[sflag:s6] =	ssyncset.done $0x0  }
0x16f: {  	s0 =	rddreg [dreg:$0x13];
	[sflag:s6] =	ssyncadd.s32 $0xFFFFF000  }
0x170: {  	[hbm4b:s0+s2] =	stream.linear.scatter [tilespmem:s5], [sflag:$0x3], $0x1000, $0x38;
	[tilespmem:$0x2C00] =	vst v63  }
0x171: {  	_ =	swait.ge [sflag:s3], $0x1000  }
0x172: {  	[sflag:s3] =	ssyncset.done $0x0  }
0x173: {  	[sflag:s3] =	ssyncadd.s32 $0xFFFFF000  }
0x174: {  	[tilespmem:s5], [sflag:$0x2] =	stream.indirect.gather [hbm4b:s4+s8], $0x20, s16, s8, $0xb8;
	[tilespmem:$0x2C00] =	vst v63  }
0x175: {  	_ =	swait.ge [sflag:s9], $0x1000  }
0x176: {  	[sflag:s9] =	ssyncset.done $0x0  }
0x177: {  	s0 =	rddreg [dreg:$0x14];
	[sflag:s9] =	ssyncadd.s32 $0xFFFFF000  }
0x178: {  	[hbm4b:s0+s2] =	stream.linear.scatter [tilespmem:s7], [sflag:$0x3], $0x1000, $0x38;
	[tilespmem:$0x2C00] =	vst v63  }
0x179: {  	_ =	swait.ge [sflag:s3], $0x1000  }
0x17a: {  	[sflag:s3] =	ssyncset.done $0x0  }
0x17b: {  	[sflag:s3] =	ssyncadd.s32 $0xFFFFF000  }
0x17c: {  	[tilespmem:s7], [sflag:$0x1] =	stream.indirect.gather [hbm4b:s4+s8], $0x20, s15, s8, $0xb8;
	[tilespmem:$0x2C00] =	vst v63  }
0x17d: {  	_ =	swait.ge [sflag:s6], $0x1000  }
0x17e: {  	[sflag:s6] =	ssyncset.done $0x0  }
0x17f: {  	s0 =	rddreg [dreg:$0x15];
	[sflag:s6] =	ssyncadd.s32 $0xFFFFF000  }
0x180: {  	[hbm4b:s0+s2] =	stream.linear.scatter [tilespmem:s5], [sflag:$0x3], $0x1000, $0x38;
	[tilespmem:$0x2C00] =	vst v63  }
0x181: {  	_ =	swait.ge [sflag:s3], $0x1000  }
0x182: {  	[sflag:s3] =	ssyncset.done $0x0  }
0x183: {  	[sflag:s3] =	ssyncadd.s32 $0xFFFFF000  }
0x184: {  	[tilespmem:s5], [sflag:$0x2] =	stream.indirect.gather [hbm4b:s4+s8], $0x20, s14, s8, $0xb8;
	[tilespmem:$0x2C00] =	vst v63  }
0x185: {  	_ =	swait.ge [sflag:s9], $0x1000  }
0x186: {  	[sflag:s9] =	ssyncset.done $0x0  }
0x187: {  	s0 =	rddreg [dreg:$0x16];
	[sflag:s9] =	ssyncadd.s32 $0xFFFFF000  }
0x188: {  	[hbm4b:s0+s2] =	stream.linear.scatter [tilespmem:s7], [sflag:$0x3], $0x1000, $0x38;
	[tilespmem:$0x2C00] =	vst v63  }
0x189: {  	_ =	swait.ge [sflag:s3], $0x1000  }
0x18a: {  	[sflag:s3] =	ssyncset.done $0x0  }
0x18b: {  	[sflag:s3] =	ssyncadd.s32 $0xFFFFF000  }
0x18c: {  	[tilespmem:s7], [sflag:$0x1] =	stream.indirect.gather [hbm4b:s4+s8], $0x20, s13, s8, $0xb8;
	[tilespmem:$0x2C00] =	vst v63  }
0x18d: {  	_ =	swait.ge [sflag:s6], $0x1000  }
0x18e: {  	[sflag:s6] =	ssyncset.done $0x0  }
0x18f: {  	s0 =	rddreg [dreg:$0x17];
	[sflag:s6] =	ssyncadd.s32 $0xFFFFF000  }
0x190: {  	[hbm4b:s0+s2] =	stream.linear.scatter [tilespmem:s5], [sflag:$0x3], $0x1000, $0x38;
	[tilespmem:$0x2C00] =	vst v63  }
0x191: {  	_ =	swait.ge [sflag:s3], $0x1000  }
0x192: {  	[sflag:s3] =	ssyncset.done $0x0  }
0x193: {  	[sflag:s3] =	ssyncadd.s32 $0xFFFFF000  }
0x194: {  	[tilespmem:s5], [sflag:$0x2] =	stream.indirect.gather [hbm4b:s4+s8], $0x20, s12, s8, $0xb8;
	[tilespmem:$0x2C00] =	vst v63  }
0x195: {  	_ =	swait.ge [sflag:s9], $0x1000  }
0x196: {  	[sflag:s9] =	ssyncset.done $0x0  }
0x197: {  	s0 =	rddreg [dreg:$0x18];
	[sflag:s9] =	ssyncadd.s32 $0xFFFFF000  }
0x198: {  	[hbm4b:s0+s2] =	stream.linear.scatter [tilespmem:s7], [sflag:$0x3], $0x1000, $0x38;
	[tilespmem:$0x2C00] =	vst v63  }
0x199: {  	_ =	swait.ge [sflag:s3], $0x1000  }
0x19a: {  	[sflag:s3] =	ssyncset.done $0x0  }
0x19b: {  	[sflag:s3] =	ssyncadd.s32 $0xFFFFF000  }
0x19c: {  	[tilespmem:s7], [sflag:$0x1] =	stream.indirect.gather [hbm4b:s4+s8], $0x20, s11, s8, $0xb8;
	[tilespmem:$0x2C00] =	vst v63  }
0x19d: {  	_ =	swait.ge [sflag:s6], $0x1000  }
0x19e: {  	[sflag:s6] =	ssyncset.done $0x0  }
0x19f: {  	s0 =	rddreg [dreg:$0x19];
	[sflag:s6] =	ssyncadd.s32 $0xFFFFF000  }
0x1a0: {  	[hbm4b:s0+s2] =	stream.linear.scatter [tilespmem:s5], [sflag:$0x3], $0x1000, $0x38;
	[tilespmem:$0x2C00] =	vst v63  }
0x1a1: {  	_ =	swait.ge [sflag:s3], $0x1000  }
0x1a2: {  	[sflag:s3] =	ssyncset.done $0x0  }
0x1a3: {  	[sflag:s3] =	ssyncadd.s32 $0xFFFFF000  }
0x1a4: {  	[tilespmem:s5], [sflag:$0x2] =	stream.indirect.gather [hbm4b:s4+s8], $0x20, s10, s8, $0xb8;
	[tilespmem:$0x2C00] =	vst v63  }
0x1a5: {  	_ =	swait.ge [sflag:s9], $0x1000  }
0x1a6: {  	[sflag:s9] =	ssyncset.done $0x0  }
0x1a7: {  	s0 =	rddreg [dreg:$0x1a];
	[sflag:s9] =	ssyncadd.s32 $0xFFFFF000  }
0x1a8: {  	[hbm4b:s0+s2] =	stream.linear.scatter [tilespmem:s7], [sflag:$0x3], $0x1000, $0x38;
	[tilespmem:$0x2C00] =	vst v63  }
0x1a9: {  	_ =	swait.ge [sflag:s3], $0x1000  }
0x1aa: {  	[sflag:s3] =	ssyncset.done $0x0  }
0x1ab: {  	[sflag:s3] =	ssyncadd.s32 $0xFFFFF000  }
0x1ac: {  	p1 =	sne.s32 s1, $0x1;
	_ =	swait.ge [sflag:s6], $0x1000  }
.Ltmp2:
0x1ad: {  	[sflag:s6] =	ssyncset.done $0x0;
	(pc) =	sbr.rel @p1 .LBB2_2-.Ltmp2, $4  }
0x1ae: {  	s0 =	rddreg [dreg:$0x1b];
	[sflag:s6] =	ssyncadd.s32 $0xFFFFF000  }
0x1af: {  	[hbm4b:s0+s2] =	stream.linear.scatter [tilespmem:s5], [sflag:$0x3], $0x1000, $0x38;
	[tilespmem:$0x2C00] =	vst v63  }
0x1b0: {  	_ =	swait.ge [sflag:s3], $0x1000  }
0x1b1: {  	s1 =	sadd.s32 $0xFFFFFFFF, s1;
	s0 =	rddreg [dreg:$0x4];
	[sflag:s3] =	ssyncset.done $0x0  }
.LBB2_3:
0x1b2: {  	[sflag:s3] =	ssyncadd.s32 @p0 $0xFFFFF000  }
0x1b3: {  	[tilespmem:s2], [sflag:$0x3] =	stream.linear.gather [hbm4b:s0+s2], $0xC00, $0x38;
	[tilespmem:$0x2C00] =	vst v63  }
0x1b4: {  	_ =	swait.ge [sflag:s3], $0xC00  }
0x1b5: {  	[sflag:s3] =	ssyncset.done $0x0  }
0x1b6: {  	[sflag:s3] =	ssyncadd.s32 $0xFFFFF400  }
0x1b7: {  	[tilespmem:s7], [sflag:$0x1] =	stream.indirect.gather [hbm4b:s4+s8], $0x20, s2, s8, $0xb8;
	[tilespmem:$0x2C00] =	vst v63  }
0x1b8: {  	_ = 	snop  }
0x1b9: {  	[tilespmem:s5], [sflag:$0x2] =	stream.indirect.gather [hbm4b:s4+s8], $0x20, s8, s8, $0xb8;
	[tilespmem:$0x2C00] =	vst v63  }
0x1ba: {  	_ =	swait.ge [sflag:s9], $0x1000  }
0x1bb: {  	[sflag:s9] =	ssyncset.done $0x0  }
0x1bc: {  	[sflag:s9] =	ssyncadd.s32 $0xFFFFF000  }
0x1bd: {  	[hbm4b:s24+s2] =	stream.linear.scatter [tilespmem:s7], [sflag:$0x3], $0x1000, $0x38;
	[tilespmem:$0x2C00] =	vst v63  }
0x1be: {  	_ =	swait.ge [sflag:s3], $0x1000  }
0x1bf: {  	[sflag:s3] =	ssyncset.done $0x0  }
0x1c0: {  	s24 =	rddreg [dreg:$0x1c];
	[sflag:s3] =	ssyncadd.s32 $0xFFFFF000  }
0x1c1: {  	[tilespmem:s7], [sflag:$0x1] =	stream.indirect.gather [hbm4b:s4+s8], $0x20, s24, s8, $0xb8;
	[tilespmem:$0x2C00] =	vst v63  }
0x1c2: {  	_ =	swait.ge [sflag:s6], $0x1000  }
0x1c3: {  	[sflag:s6] =	ssyncset.done $0x0  }
0x1c4: {  	s1 =	rddreg [dreg:$0x5];
	[sflag:s6] =	ssyncadd.s32 $0xFFFFF000  }
0x1c5: {  	[hbm4b:s1+s2] =	stream.linear.scatter [tilespmem:s5], [sflag:$0x3], $0x1000, $0x38;
	[tilespmem:$0x2C00] =	vst v63  }
0x1c6: {  	_ =	swait.ge [sflag:s3], $0x1000  }
0x1c7: {  	[sflag:s3] =	ssyncset.done $0x0  }
0x1c8: {  	s24 =	rddreg [dreg:$0x1d];
	[sflag:s3] =	ssyncadd.s32 $0xFFFFF000  }
0x1c9: {  	[tilespmem:s5], [sflag:$0x2] =	stream.indirect.gather [hbm4b:s4+s8], $0x20, s24, s8, $0xb8;
	[tilespmem:$0x2C00] =	vst v63  }
0x1ca: {  	_ =	swait.ge [sflag:s9], $0x1000  }
0x1cb: {  	[sflag:s9] =	ssyncset.done $0x0  }
0x1cc: {  	s1 =	rddreg [dreg:$0x6];
	[sflag:s9] =	ssyncadd.s32 $0xFFFFF000  }
0x1cd: {  	[hbm4b:s1+s2] =	stream.linear.scatter [tilespmem:s7], [sflag:$0x3], $0x1000, $0x38;
	[tilespmem:$0x2C00] =	vst v63  }
0x1ce: {  	_ =	swait.ge [sflag:s3], $0x1000  }
0x1cf: {  	[sflag:s3] =	ssyncset.done $0x0  }
0x1d0: {  	[sflag:s3] =	ssyncadd.s32 $0xFFFFF000  }
0x1d1: {  	[tilespmem:s7], [sflag:$0x1] =	stream.indirect.gather [hbm4b:s4+s8], $0x20, s31, s8, $0xb8;
	[tilespmem:$0x2C00] =	vst v63  }
0x1d2: {  	_ =	swait.ge [sflag:s6], $0x1000  }
0x1d3: {  	[sflag:s6] =	ssyncset.done $0x0  }
0x1d4: {  	s24 =	rddreg [dreg:$0x7];
	[sflag:s6] =	ssyncadd.s32 $0xFFFFF000  }
0x1d5: {  	[hbm4b:s24+s2] =	stream.linear.scatter [tilespmem:s5], [sflag:$0x3], $0x1000, $0x38;
	[tilespmem:$0x2C00] =	vst v63  }
0x1d6: {  	_ =	swait.ge [sflag:s3], $0x1000  }
0x1d7: {  	[sflag:s3] =	ssyncset.done $0x0  }
0x1d8: {  	[sflag:s3] =	ssyncadd.s32 $0xFFFFF000  }
0x1d9: {  	[tilespmem:s5], [sflag:$0x2] =	stream.indirect.gather [hbm4b:s4+s8], $0x20, s30, s8, $0xb8;
	[tilespmem:$0x2C00] =	vst v63  }
0x1da: {  	_ =	swait.ge [sflag:s9], $0x1000  }
0x1db: {  	[sflag:s9] =	ssyncset.done $0x0  }
0x1dc: {  	s31 =	rddreg [dreg:$0x8];
	[sflag:s9] =	ssyncadd.s32 $0xFFFFF000  }
0x1dd: {  	[hbm4b:s31+s2] =	stream.linear.scatter [tilespmem:s7], [sflag:$0x3], $0x1000, $0x38;
	[tilespmem:$0x2C00] =	vst v63  }
0x1de: {  	_ =	swait.ge [sflag:s3], $0x1000  }
0x1df: {  	[sflag:s3] =	ssyncset.done $0x0  }
0x1e0: {  	[sflag:s3] =	ssyncadd.s32 $0xFFFFF000  }
0x1e1: {  	[tilespmem:s7], [sflag:$0x1] =	stream.indirect.gather [hbm4b:s4+s8], $0x20, s29, s8, $0xb8;
	[tilespmem:$0x2C00] =	vst v63  }
0x1e2: {  	_ =	swait.ge [sflag:s6], $0x1000  }
0x1e3: {  	[sflag:s6] =	ssyncset.done $0x0  }
0x1e4: {  	s1 =	rddreg [dreg:$0x9];
	[sflag:s6] =	ssyncadd.s32 $0xFFFFF000  }
0x1e5: {  	[hbm4b:s1+s2] =	stream.linear.scatter [tilespmem:s5], [sflag:$0x3], $0x1000, $0x38;
	[tilespmem:$0x2C00] =	vst v63  }
0x1e6: {  	_ =	swait.ge [sflag:s3], $0x1000  }
0x1e7: {  	[sflag:s3] =	ssyncset.done $0x0  }
0x1e8: {  	[sflag:s3] =	ssyncadd.s32 $0xFFFFF000  }
0x1e9: {  	[tilespmem:s5], [sflag:$0x2] =	stream.indirect.gather [hbm4b:s4+s8], $0x20, s28, s8, $0xb8;
	[tilespmem:$0x2C00] =	vst v63  }
0x1ea: {  	_ =	swait.ge [sflag:s9], $0x1000  }
0x1eb: {  	[sflag:s9] =	ssyncset.done $0x0  }
0x1ec: {  	s24 =	rddreg [dreg:$0xa];
	[sflag:s9] =	ssyncadd.s32 $0xFFFFF000  }
0x1ed: {  	[hbm4b:s24+s2] =	stream.linear.scatter [tilespmem:s7], [sflag:$0x3], $0x1000, $0x38;
	[tilespmem:$0x2C00] =	vst v63  }
0x1ee: {  	_ =	swait.ge [sflag:s3], $0x1000  }
0x1ef: {  	[sflag:s3] =	ssyncset.done $0x0  }
0x1f0: {  	[sflag:s3] =	ssyncadd.s32 $0xFFFFF000  }
0x1f1: {  	[tilespmem:s7], [sflag:$0x1] =	stream.indirect.gather [hbm4b:s4+s8], $0x20, s26, s8, $0xb8;
	[tilespmem:$0x2C00] =	vst v63  }
0x1f2: {  	_ =	swait.ge [sflag:s6], $0x1000  }
0x1f3: {  	[sflag:s6] =	ssyncset.done $0x0  }
0x1f4: {  	s26 =	rddreg [dreg:$0xb];
	[sflag:s6] =	ssyncadd.s32 $0xFFFFF000  }
0x1f5: {  	[hbm4b:s26+s2] =	stream.linear.scatter [tilespmem:s5], [sflag:$0x3], $0x1000, $0x38;
	[tilespmem:$0x2C00] =	vst v63  }
0x1f6: {  	_ =	swait.ge [sflag:s3], $0x1000  }
0x1f7: {  	[sflag:s3] =	ssyncset.done $0x0  }
0x1f8: {  	[sflag:s3] =	ssyncadd.s32 $0xFFFFF000  }
0x1f9: {  	[tilespmem:s5], [sflag:$0x2] =	stream.indirect.gather [hbm4b:s4+s8], $0x20, s25, s8, $0xb8;
	[tilespmem:$0x2C00] =	vst v63  }
0x1fa: {  	_ =	swait.ge [sflag:s9], $0x1000  }
0x1fb: {  	[sflag:s9] =	ssyncset.done $0x0  }
0x1fc: {  	s28 =	rddreg [dreg:$0xc];
	[sflag:s9] =	ssyncadd.s32 $0xFFFFF000  }
0x1fd: {  	[hbm4b:s28+s2] =	stream.linear.scatter [tilespmem:s7], [sflag:$0x3], $0x1000, $0x38;
	[tilespmem:$0x2C00] =	vst v63  }
0x1fe: {  	_ =	swait.ge [sflag:s3], $0x1000  }
0x1ff: {  	[sflag:s3] =	ssyncset.done $0x0  }
0x200: {  	[sflag:s3] =	ssyncadd.s32 $0xFFFFF000  }
0x201: {  	[tilespmem:s7], [sflag:$0x1] =	stream.indirect.gather [hbm4b:s4+s8], $0x20, s23, s8, $0xb8;
	[tilespmem:$0x2C00] =	vst v63  }
0x202: {  	_ =	swait.ge [sflag:s6], $0x1000  }
0x203: {  	[sflag:s6] =	ssyncset.done $0x0  }
0x204: {  	s29 =	rddreg [dreg:$0xd];
	[sflag:s6] =	ssyncadd.s32 $0xFFFFF000  }
0x205: {  	[hbm4b:s29+s2] =	stream.linear.scatter [tilespmem:s5], [sflag:$0x3], $0x1000, $0x38;
	[tilespmem:$0x2C00] =	vst v63  }
0x206: {  	_ =	swait.ge [sflag:s3], $0x1000  }
0x207: {  	[sflag:s3] =	ssyncset.done $0x0  }
0x208: {  	[sflag:s3] =	ssyncadd.s32 $0xFFFFF000  }
0x209: {  	[tilespmem:s5], [sflag:$0x2] =	stream.indirect.gather [hbm4b:s4+s8], $0x20, s22, s8, $0xb8;
	[tilespmem:$0x2C00] =	vst v63  }
0x20a: {  	_ =	swait.ge [sflag:s9], $0x1000  }
0x20b: {  	[sflag:s9] =	ssyncset.done $0x0  }
0x20c: {  	s30 =	rddreg [dreg:$0xe];
	[sflag:s9] =	ssyncadd.s32 $0xFFFFF000  }
0x20d: {  	[hbm4b:s30+s2] =	stream.linear.scatter [tilespmem:s7], [sflag:$0x3], $0x1000, $0x38;
	[tilespmem:$0x2C00] =	vst v63  }
0x20e: {  	_ =	swait.ge [sflag:s3], $0x1000  }
0x20f: {  	[sflag:s3] =	ssyncset.done $0x0  }
0x210: {  	[sflag:s3] =	ssyncadd.s32 $0xFFFFF000  }
0x211: {  	[tilespmem:s7], [sflag:$0x1] =	stream.indirect.gather [hbm4b:s4+s8], $0x20, s21, s8, $0xb8;
	[tilespmem:$0x2C00] =	vst v63  }
0x212: {  	_ =	swait.ge [sflag:s6], $0x1000  }
0x213: {  	[sflag:s6] =	ssyncset.done $0x0  }
0x214: {  	s31 =	rddreg [dreg:$0xf];
	[sflag:s6] =	ssyncadd.s32 $0xFFFFF000  }
0x215: {  	[hbm4b:s31+s2] =	stream.linear.scatter [tilespmem:s5], [sflag:$0x3], $0x1000, $0x38;
	[tilespmem:$0x2C00] =	vst v63  }
0x216: {  	_ =	swait.ge [sflag:s3], $0x1000  }
0x217: {  	[sflag:s3] =	ssyncset.done $0x0  }
0x218: {  	[sflag:s3] =	ssyncadd.s32 $0xFFFFF000  }
0x219: {  	[tilespmem:s5], [sflag:$0x2] =	stream.indirect.gather [hbm4b:s4+s8], $0x20, s20, s8, $0xb8;
	[tilespmem:$0x2C00] =	vst v63  }
0x21a: {  	_ =	swait.ge [sflag:s9], $0x1000  }
0x21b: {  	[sflag:s9] =	ssyncset.done $0x0  }
0x21c: {  	s1 =	rddreg [dreg:$0x10];
	[sflag:s9] =	ssyncadd.s32 $0xFFFFF000  }
0x21d: {  	[hbm4b:s1+s2] =	stream.linear.scatter [tilespmem:s7], [sflag:$0x3], $0x1000, $0x38;
	[tilespmem:$0x2C00] =	vst v63  }
0x21e: {  	_ =	swait.ge [sflag:s3], $0x1000  }
0x21f: {  	[sflag:s3] =	ssyncset.done $0x0  }
0x220: {  	[sflag:s3] =	ssyncadd.s32 $0xFFFFF000  }
0x221: {  	[tilespmem:s7], [sflag:$0x1] =	stream.indirect.gather [hbm4b:s4+s8], $0x20, s19, s8, $0xb8;
	[tilespmem:$0x2C00] =	vst v63  }
0x222: {  	_ =	swait.ge [sflag:s6], $0x1000  }
0x223: {  	[sflag:s6] =	ssyncset.done $0x0  }
0x224: {  	s19 =	rddreg [dreg:$0x11];
	[sflag:s6] =	ssyncadd.s32 $0xFFFFF000  }
0x225: {  	[hbm4b:s19+s2] =	stream.linear.scatter [tilespmem:s5], [sflag:$0x3], $0x1000, $0x38;
	[tilespmem:$0x2C00] =	vst v63  }
0x226: {  	_ =	swait.ge [sflag:s3], $0x1000  }
0x227: {  	[sflag:s3] =	ssyncset.done $0x0  }
0x228: {  	[sflag:s3] =	ssyncadd.s32 $0xFFFFF000  }
0x229: {  	[tilespmem:s5], [sflag:$0x2] =	stream.indirect.gather [hbm4b:s4+s8], $0x20, s18, s8, $0xb8;
	[tilespmem:$0x2C00] =	vst v63  }
0x22a: {  	_ =	swait.ge [sflag:s9], $0x1000  }
0x22b: {  	[sflag:s9] =	ssyncset.done $0x0  }
0x22c: {  	s20 =	rddreg [dreg:$0x12];
	[sflag:s9] =	ssyncadd.s32 $0xFFFFF000  }
0x22d: {  	[hbm4b:s20+s2] =	stream.linear.scatter [tilespmem:s7], [sflag:$0x3], $0x1000, $0x38;
	[tilespmem:$0x2C00] =	vst v63  }
0x22e: {  	_ =	swait.ge [sflag:s3], $0x1000  }
0x22f: {  	[sflag:s3] =	ssyncset.done $0x0  }
0x230: {  	[sflag:s3] =	ssyncadd.s32 $0xFFFFF000  }
0x231: {  	[tilespmem:s7], [sflag:$0x1] =	stream.indirect.gather [hbm4b:s4+s8], $0x20, s17, s8, $0xb8;
	[tilespmem:$0x2C00] =	vst v63  }
0x232: {  	_ =	swait.ge [sflag:s6], $0x1000  }
0x233: {  	[sflag:s6] =	ssyncset.done $0x0  }
0x234: {  	s21 =	rddreg [dreg:$0x13];
	[sflag:s6] =	ssyncadd.s32 $0xFFFFF000  }
0x235: {  	[hbm4b:s21+s2] =	stream.linear.scatter [tilespmem:s5], [sflag:$0x3], $0x1000, $0x38;
	[tilespmem:$0x2C00] =	vst v63  }
0x236: {  	_ =	swait.ge [sflag:s3], $0x1000  }
0x237: {  	[sflag:s3] =	ssyncset.done $0x0  }
0x238: {  	[sflag:s3] =	ssyncadd.s32 $0xFFFFF000  }
0x239: {  	[tilespmem:s5], [sflag:$0x2] =	stream.indirect.gather [hbm4b:s4+s8], $0x20, s16, s8, $0xb8;
	[tilespmem:$0x2C00] =	vst v63  }
0x23a: {  	_ =	swait.ge [sflag:s9], $0x1000  }
0x23b: {  	[sflag:s9] =	ssyncset.done $0x0  }
0x23c: {  	s22 =	rddreg [dreg:$0x14];
	[sflag:s9] =	ssyncadd.s32 $0xFFFFF000  }
0x23d: {  	[hbm4b:s22+s2] =	stream.linear.scatter [tilespmem:s7], [sflag:$0x3], $0x1000, $0x38;
	[tilespmem:$0x2C00] =	vst v63  }
0x23e: {  	_ =	swait.ge [sflag:s3], $0x1000  }
0x23f: {  	[sflag:s3] =	ssyncset.done $0x0  }
0x240: {  	[sflag:s3] =	ssyncadd.s32 $0xFFFFF000  }
0x241: {  	[tilespmem:s7], [sflag:$0x1] =	stream.indirect.gather [hbm4b:s4+s8], $0x20, s15, s8, $0xb8;
	[tilespmem:$0x2C00] =	vst v63  }
0x242: {  	_ =	swait.ge [sflag:s6], $0x1000  }
0x243: {  	[sflag:s6] =	ssyncset.done $0x0  }
0x244: {  	s23 =	rddreg [dreg:$0x15];
	[sflag:s6] =	ssyncadd.s32 $0xFFFFF000  }
0x245: {  	[hbm4b:s23+s2] =	stream.linear.scatter [tilespmem:s5], [sflag:$0x3], $0x1000, $0x38;
	[tilespmem:$0x2C00] =	vst v63  }
0x246: {  	_ =	swait.ge [sflag:s3], $0x1000  }
0x247: {  	[sflag:s3] =	ssyncset.done $0x0  }
0x248: {  	[sflag:s3] =	ssyncadd.s32 $0xFFFFF000  }
0x249: {  	[tilespmem:s5], [sflag:$0x2] =	stream.indirect.gather [hbm4b:s4+s8], $0x20, s14, s8, $0xb8;
	[tilespmem:$0x2C00] =	vst v63  }
0x24a: {  	_ =	swait.ge [sflag:s9], $0x1000  }
0x24b: {  	[sflag:s9] =	ssyncset.done $0x0  }
0x24c: {  	s24 =	rddreg [dreg:$0x16];
	[sflag:s9] =	ssyncadd.s32 $0xFFFFF000  }
0x24d: {  	[hbm4b:s24+s2] =	stream.linear.scatter [tilespmem:s7], [sflag:$0x3], $0x1000, $0x38;
	[tilespmem:$0x2C00] =	vst v63  }
0x24e: {  	_ =	swait.ge [sflag:s3], $0x1000  }
0x24f: {  	[sflag:s3] =	ssyncset.done $0x0  }
0x250: {  	[sflag:s3] =	ssyncadd.s32 $0xFFFFF000  }
0x251: {  	[tilespmem:s7], [sflag:$0x1] =	stream.indirect.gather [hbm4b:s4+s8], $0x20, s13, s8, $0xb8;
	[tilespmem:$0x2C00] =	vst v63  }
0x252: {  	_ =	swait.ge [sflag:s6], $0x1000  }
0x253: {  	[sflag:s6] =	ssyncset.done $0x0  }
0x254: {  	s25 =	rddreg [dreg:$0x17];
	[sflag:s6] =	ssyncadd.s32 $0xFFFFF000  }
0x255: {  	[hbm4b:s25+s2] =	stream.linear.scatter [tilespmem:s5], [sflag:$0x3], $0x1000, $0x38;
	[tilespmem:$0x2C00] =	vst v63  }
0x256: {  	_ =	swait.ge [sflag:s3], $0x1000  }
0x257: {  	[sflag:s3] =	ssyncset.done $0x0  }
0x258: {  	[sflag:s3] =	ssyncadd.s32 $0xFFFFF000  }
0x259: {  	[tilespmem:s5], [sflag:$0x2] =	stream.indirect.gather [hbm4b:s4+s8], $0x20, s12, s8, $0xb8;
	[tilespmem:$0x2C00] =	vst v63  }
0x25a: {  	_ =	swait.ge [sflag:s9], $0x1000  }
0x25b: {  	[sflag:s9] =	ssyncset.done $0x0  }
0x25c: {  	s26 =	rddreg [dreg:$0x18];
	[sflag:s9] =	ssyncadd.s32 $0xFFFFF000  }
0x25d: {  	[hbm4b:s26+s2] =	stream.linear.scatter [tilespmem:s7], [sflag:$0x3], $0x1000, $0x38;
	[tilespmem:$0x2C00] =	vst v63  }
0x25e: {  	_ =	swait.ge [sflag:s3], $0x1000  }
0x25f: {  	[sflag:s3] =	ssyncset.done $0x0  }
0x260: {  	[sflag:s3] =	ssyncadd.s32 $0xFFFFF000  }
0x261: {  	[tilespmem:s7], [sflag:$0x1] =	stream.indirect.gather [hbm4b:s4+s8], $0x20, s11, s8, $0xb8;
	[tilespmem:$0x2C00] =	vst v63  }
0x262: {  	_ =	swait.ge [sflag:s6], $0x1000  }
0x263: {  	[sflag:s6] =	ssyncset.done $0x0  }
0x264: {  	s28 =	rddreg [dreg:$0x19];
	[sflag:s6] =	ssyncadd.s32 $0xFFFFF000  }
0x265: {  	[hbm4b:s28+s2] =	stream.linear.scatter [tilespmem:s5], [sflag:$0x3], $0x1000, $0x38;
	[tilespmem:$0x2C00] =	vst v63  }
0x266: {  	_ =	swait.ge [sflag:s3], $0x1000  }
0x267: {  	[sflag:s3] =	ssyncset.done $0x0  }
0x268: {  	[sflag:s3] =	ssyncadd.s32 $0xFFFFF000  }
0x269: {  	[tilespmem:s5], [sflag:$0x2] =	stream.indirect.gather [hbm4b:s4+s8], $0x20, s10, s8, $0xb8;
	[tilespmem:$0x2C00] =	vst v63  }
0x26a: {  	_ =	swait.ge [sflag:s9], $0x1000  }
0x26b: {  	[sflag:s9] =	ssyncset.done $0x0  }
0x26c: {  	s29 =	rddreg [dreg:$0x1a];
	[sflag:s9] =	ssyncadd.s32 $0xFFFFF000  }
0x26d: {  	[hbm4b:s29+s2] =	stream.linear.scatter [tilespmem:s7], [sflag:$0x3], $0x1000, $0x38;
	[tilespmem:$0x2C00] =	vst v63  }
0x26e: {  	_ =	swait.ge [sflag:s3], $0x1000  }
0x26f: {  	[sflag:s3] =	ssyncset.done $0x0  }
0x270: {  	[sflag:s3] =	ssyncadd.s32 $0xFFFFF000  }
0x271: {  	_ =	swait.ge [sflag:s6], $0x1000  }
0x272: {  	[sflag:s6] =	ssyncset.done $0x0  }
0x273: {  	s30 =	rddreg [dreg:$0x1b];
	[sflag:s6] =	ssyncadd.s32 $0xFFFFF000  }
0x274: {  	[hbm4b:s30+s2] =	stream.linear.scatter [tilespmem:s5], [sflag:$0x3], $0x1000, $0x38;
	[tilespmem:$0x2C00] =	vst v63  }
0x275: {  	_ =	swait.ge [sflag:s3], $0x1000  }
0x276: {  	[sflag:s3] =	ssyncset.done $0x0  }
0x277: {  	[sflag:s3] =	ssyncadd.s32 $0xFFFFF000  }
0x278: {  	_ =	sfence.sel $0x180000  }
0x279: {  	[bflag:$0x0] =	sbarrier.arrive $0xFFFF  }
0x27a: {  	_ =	strace $0x90000047  }
0x27b: {  	s31 =	stileid.u32;
	[bflag:$0x2] =	sbarrier.arrive $0xFFFF  }
0x27c: {  	p0 =	sne.s32 s31, $0x0;
	s0 =	rddreg [dreg:$0x3]  }
0x27d: {  	s0 =	sadd.s32 @!p0 $0x100000, s0  }
0x27e: {  	[sflag:s0] =	ssyncadd.tile.s32 @!p0 $0x1;
	_ =	shalt  }
.Lfunc_end2:
_tile_overlayer_lowered:
.L_overlay_start_2:
0x27f: {  	(tag) =	ssettag $0x2  }
0x280: {  	s0 =	rddreg [dreg:$0x0];
	s2 =	stileid.u32  }
0x281: {  	s1 =	rddreg [dreg:$0x1];
	p0 =	sne.s32 s2, $0x0  }
0x282: {  	s3 =	rddreg [dreg:$0x2];
	[bflag:$0x3] =	sbarrier.arrive $0xFFFF;
	s2 =	simm.s32 @!p0 $0x1C03  }
0x283: {  	[timem:s3], [sflag:s2] =	dma.local @!p0 [hbm:s0], s1  }
0x284: {  	s0 =	simm.s32 @!p0 $0x3  }
0x285: {  	_ =	swait.ge @!p0 [sflag:s0], s1  }
0x286: {  	s1 =	ssub.s32 @!p0 $0x0, s1;
	[sflag:s0] =	ssyncset.done @!p0 $0x0  }
0x287: {  	[sflag:s0] =	ssyncadd.s32 @!p0 s1  }
0x288: {  	[bflag:$0x3] =	sbarrier.arrive $0xFFFF  }
0x289: {  	_ =	shalt  }

</sc_bundles>
